<compile_context>
chip_gen: v7x
topology: tpu7x:2x2x1
jax: 0.10.2.dev20260603
libtpu: 0.0.44.dev20260713+nightly
codegen_flags: <defaults>
</compile_context>

<pallas_src>
import functools

import jax
import jax.numpy as jnp
from jax import lax
from jax.experimental import pallas as pl
from jax.experimental.pallas import tpu as pltpu
from jax.experimental.pallas import tpu_sc as plsc

H = 16


_SC_K = 1024


def _sc_gather_body(chunks, n_pad, width, table_hbm, idx_hbm, out_hbm,
                    idx_v, rows_v, tab):
    c = lax.axis_index("c")
    s = lax.axis_index("s")
    tile = c * 16 + s
    base = tile * (chunks * _SC_K)
    stripe = n_pad // 16
    pltpu.sync_copy(table_hbm.at[pl.ds(s * stripe, stripe)],
                    tab.at[pl.ds(s * stripe, stripe)])
    plsc.subcore_barrier()

    def chunk(j, carry):
        off = pl.multiple_of(base + j * _SC_K, _SC_K)
        pltpu.sync_copy(idx_hbm.at[pl.ds(off, _SC_K)], idx_v)
        pltpu.sync_copy(tab.at[idx_v], rows_v)
        pltpu.sync_copy(rows_v, out_hbm.at[pl.ds(off, _SC_K)])
        return carry

    lax.fori_loop(0, chunks, chunk, 0)


def _sc_gather(table, idx, chunks):
    n_pad, width = table.shape
    mesh = plsc.VectorSubcoreMesh(core_axis_name="c", subcore_axis_name="s")
    f = pl.kernel(
        functools.partial(_sc_gather_body, chunks, n_pad, width),
        out_type=jax.ShapeDtypeStruct((idx.shape[0], width), jnp.float32),
        mesh=mesh,
        scratch_types=[
            pltpu.VMEM((_SC_K,), jnp.int32),
            pltpu.VMEM((_SC_K, width), jnp.float32),
            pltpu.VMEM_SHARED((n_pad, width), jnp.float32),
        ],
        compiler_params=pltpu.CompilerParams(use_tc_tiling_on_sc=False),
    )
    return f(table, idx)


def _sc_scatadd_body(chunks, n_pad, vals_hbm, row_hbm, zeros_hbm, out_hbm,
                     row_v, rows_v, acc):
    c = lax.axis_index("c")
    s = lax.axis_index("s")
    tile = c * 16 + s
    base = tile * (chunks * _SC_K)
    stripe = n_pad // 16
    pltpu.sync_copy(zeros_hbm.at[pl.ds(s * stripe, stripe)],
                    acc.at[pl.ds(s * stripe, stripe)])
    plsc.subcore_barrier()

    def chunk(j, carry):
        off = pl.multiple_of(base + j * _SC_K, _SC_K)
        pltpu.sync_copy(row_hbm.at[pl.ds(off, _SC_K)], row_v)
        pltpu.sync_copy(vals_hbm.at[pl.ds(off, _SC_K)], rows_v)
        pltpu.sync_copy(rows_v, acc.at[row_v], add=True)
        return carry

    lax.fori_loop(0, chunks, chunk, 0)
    plsc.subcore_barrier()
    out_off = pl.multiple_of(c * n_pad + s * stripe, 8)
    pltpu.sync_copy(acc.at[pl.ds(s * stripe, stripe)],
                    out_hbm.at[pl.ds(out_off, stripe)])


def _sc_scatadd(vals, row_p, zeros, chunks):
    n_pad = zeros.shape[0]
    mesh = plsc.VectorSubcoreMesh(core_axis_name="c", subcore_axis_name="s")
    f = pl.kernel(
        functools.partial(_sc_scatadd_body, chunks, n_pad),
        out_type=jax.ShapeDtypeStruct((2 * n_pad, H), jnp.float32),
        mesh=mesh,
        scratch_types=[
            pltpu.VMEM((_SC_K,), jnp.int32),
            pltpu.VMEM((_SC_K, H), jnp.float32),
            pltpu.VMEM_SHARED((n_pad, H), jnp.float32),
        ],
        compiler_params=pltpu.CompilerParams(use_tc_tiling_on_sc=False),
    )
    return f(vals, row_p, zeros)


def _edge_mlp_body(rr_ref, rc_ref, mats_ref, vecs_ref, m_ref):
    rr = rr_ref[...]
    rc = rc_ref[...]
    mats = mats_ref[...]
    vecs = vecs_ref[...]
    d = rr - rc
    d2 = d * d * vecs[0][None, :]
    radial_b = jnp.dot(d2, mats[2], preferred_element_type=jnp.float32)
    pre = (jnp.dot(rr, mats[0], preferred_element_type=jnp.float32)
           + jnp.dot(rc, mats[1], preferred_element_type=jnp.float32)
           + radial_b * vecs[1][None, :] + vecs[2][None, :])
    u = pre * jax.nn.sigmoid(pre)
    v = jnp.dot(u, mats[3], preferred_element_type=jnp.float32) \
        + vecs[3][None, :]
    m_ref[...] = v * jax.nn.sigmoid(v)


def _edge_mlp(rrow128, rcol128, mats, vecs, eblk=2048):
    rows = rrow128.shape[0]
    grid = (rows // eblk,)
    return pl.pallas_call(
        _edge_mlp_body,
        grid=grid,
        in_specs=[
            pl.BlockSpec((eblk, 128), lambda i: (i, 0)),
            pl.BlockSpec((eblk, 128), lambda i: (i, 0)),
            pl.BlockSpec((4, 128, 128), lambda i: (0, 0, 0)),
            pl.BlockSpec((8, 128), lambda i: (0, 0)),
        ],
        out_specs=pl.BlockSpec((eblk, 128), lambda i: (i, 0)),
        out_shape=jax.ShapeDtypeStruct((rows, 128), jnp.float32),
    )(rrow128, rcol128, mats, vecs)



def _node_body(x_ref, agg0_ref, agg1_ref, vecs_ref, mats_ref, h3_ref):
    x = x_ref[...]
    agg = agg0_ref[...] + agg1_ref[...]
    vecs = vecs_ref[...]
    w_emb = vecs[0]
    b_emb = vecs[1]
    bn1 = vecs[2]
    bn2 = vecs[3]
    b_out = vecs[4]
    mats = mats_ref[...]
    wn1a = mats[0]
    wn1b = mats[1]
    wn2 = mats[2]
    w_out = mats[3]
    h0 = x * w_emb[None, :] + b_emb[None, :]
    pre = (jnp.dot(h0, wn1a, preferred_element_type=jnp.float32)
           + jnp.dot(agg, wn1b, preferred_element_type=jnp.float32)
           + bn1[None, :])
    t = pre * jax.nn.sigmoid(pre)
    h = h0 + jnp.dot(t, wn2, preferred_element_type=jnp.float32) + bn2[None, :]
    h3_ref[...] = (jnp.dot(h, w_out, preferred_element_type=jnp.float32)
                   + b_out[None, :])


def _node_stage(x2d, agg0, agg1, vecs, mats, nblk=1024):
    n_pad = x2d.shape[0]
    grid = (n_pad // nblk,)
    return pl.pallas_call(
        _node_body,
        grid=grid,
        in_specs=[
            pl.BlockSpec((nblk, 1), lambda i: (i, 0)),
            pl.BlockSpec((nblk, H), lambda i: (i, 0)),
            pl.BlockSpec((nblk, H), lambda i: (i, 0)),
            pl.BlockSpec((8, H), lambda i: (0, 0)),
            pl.BlockSpec((4, H, H), lambda i: (0, 0, 0)),
        ],
        out_specs=pl.BlockSpec((nblk, H), lambda i: (i, 0)),
        out_shape=jax.ShapeDtypeStruct((n_pad, H), jnp.float32),
    )(x2d, agg0, agg1, vecs, mats)



def _z1_body(n_valid, h3_ref, nbr0_ref, nbr1_ref, wg1_ref, bg1_ref, z1_ref,
             sums_ref, acc_ref):
    i = pl.program_id(0)
    nblk = h3_ref.shape[0]
    s = h3_ref[...] + nbr0_ref[...] + nbr1_ref[...]
    z1 = jnp.dot(s, wg1_ref[...], preferred_element_type=jnp.float32) \
        + bg1_ref[...][0][None, :]
    z1_ref[...] = z1
    row = i * nblk + lax.broadcasted_iota(jnp.int32, (nblk, 1), 0)
    zm = jnp.where(row < n_valid, z1, 0.0)

    @pl.when(i == 0)
    def _():
        acc_ref[...] = jnp.zeros_like(acc_ref)

    acc_ref[0:1, :] += jnp.sum(zm, axis=0, keepdims=True)
    acc_ref[1:2, :] += jnp.sum(zm * zm, axis=0, keepdims=True)

    @pl.when(i == pl.num_programs(0) - 1)
    def _():
        sums_ref[...] = acc_ref[...]


def _z1_stage(h3, nbr0, nbr1, wg1, bg1_2d, n_valid, nblk=1024):
    n_pad = h3.shape[0]
    grid = (n_pad // nblk,)
    return pl.pallas_call(
        functools.partial(_z1_body, n_valid),
        grid=grid,
        in_specs=[
            pl.BlockSpec((nblk, H), lambda i: (i, 0)),
            pl.BlockSpec((nblk, H), lambda i: (i, 0)),
            pl.BlockSpec((nblk, H), lambda i: (i, 0)),
            pl.BlockSpec((H, H), lambda i: (0, 0)),
            pl.BlockSpec((1, H), lambda i: (0, 0)),
        ],
        out_specs=[
            pl.BlockSpec((nblk, H), lambda i: (i, 0)),
            pl.BlockSpec((8, H), lambda i: (0, 0)),
        ],
        out_shape=[
            jax.ShapeDtypeStruct((n_pad, H), jnp.float32),
            jax.ShapeDtypeStruct((8, H), jnp.float32),
        ],
        scratch_shapes=[pltpu.VMEM((8, H), jnp.float32)],
    )(h3, nbr0, nbr1, wg1, bg1_2d)



def _final_body(n_valid, g, z1_ref, batch_ref, sums_ref, wg2_ref, wf1_ref,
                wf2_ref, vecs_ref, out_ref, mean_ref, max_ref, cnt_ref):
    i = pl.program_id(0)
    nblk = z1_ref.shape[0]
    vecs = vecs_ref[...]
    gamma = vecs[0]
    beta = vecs[1]
    bg2 = vecs[2]

    @pl.when(i == 0)
    def _():
        mean_ref[...] = jnp.zeros_like(mean_ref)
        max_ref[...] = jnp.full_like(max_ref, -3.0e38)
        cnt_ref[...] = jnp.zeros_like(cnt_ref)

    n_f = jnp.float32(n_valid)
    sums = sums_ref[...]
    mu = sums[0]
    mu = mu / n_f
    var = sums[1] / n_f - mu * mu
    inv = lax.rsqrt(var + 1e-5)
    zn = (z1_ref[...] - mu[None, :]) * (inv * gamma)[None, :] + beta[None, :]
    zn = jnp.maximum(zn, 0.0)
    z = jnp.dot(zn, wg2_ref[...], preferred_element_type=jnp.float32) \
        + bg2[None, :]

    b = batch_ref[0]
    oht = (b == lax.broadcasted_iota(jnp.int32, (g, 1), 0)).astype(jnp.float32)
    mean_ref[...] += lax.dot_general(
        oht, z, (((1,), (0,)), ((), ())),
        preferred_element_type=jnp.float32)
    cnt_ref[...] += jnp.sum(oht, axis=1, keepdims=True)
    masked = jnp.where(oht[:, :, None] > 0, z[None, :, :], -3.0e38)
    max_ref[...] = jnp.maximum(max_ref[...], jnp.max(masked, axis=1))

    @pl.when(i == pl.num_programs(0) - 1)
    def _():
        cnt = cnt_ref[...]
        meanp = mean_ref[...] / jnp.maximum(cnt, 1.0)
        maxp = jnp.where(cnt > 0, max_ref[...], 0.0)
        bf1 = vecs[3]
        bf2 = vecs[4]
        feat = jnp.concatenate(
            [meanp, maxp, cnt,
             jnp.zeros((g, 40 - 2 * H - 1), jnp.float32)], axis=1)
        o = jnp.dot(feat, wf1_ref[...], preferred_element_type=jnp.float32) \
            + bf1[None, :]
        o = jnp.where(o > 0, o, 0.1 * (jnp.exp(o) - 1.0))
        o = jnp.dot(o, wf2_ref[...], preferred_element_type=jnp.float32) \
            + bf2[None, :]
        cmask = lax.broadcasted_iota(jnp.int32, (1, H), 1) < 10
        o = jnp.where(cmask, o, -3.0e38)
        o = o - jnp.max(o, axis=1, keepdims=True)
        e = jnp.exp(o)
        sm = e / jnp.sum(e, axis=1, keepdims=True)
        out_ref[...] = sm


def _final_stage(z1, batch3d, sums, wg2, wf1_pad, wf2_pad, vecs, n_valid, g=64,
                 nblk=512):
    n_pad = z1.shape[0]
    grid = (n_pad // nblk,)
    return pl.pallas_call(
        functools.partial(_final_body, n_valid, g),
        grid=grid,
        in_specs=[
            pl.BlockSpec((nblk, H), lambda i: (i, 0)),
            pl.BlockSpec((1, 1, nblk), lambda i: (i, 0, 0)),
            pl.BlockSpec((8, H), lambda i: (0, 0)),
            pl.BlockSpec((H, H), lambda i: (0, 0)),
            pl.BlockSpec((40, H), lambda i: (0, 0)),
            pl.BlockSpec((H, H), lambda i: (0, 0)),
            pl.BlockSpec((8, H), lambda i: (0, 0)),
        ],
        out_specs=pl.BlockSpec((g, H), lambda i: (0, 0)),
        out_shape=jax.ShapeDtypeStruct((g, H), jnp.float32),
        scratch_shapes=[
            pltpu.VMEM((g, H), jnp.float32),
            pltpu.VMEM((g, H), jnp.float32),
            pltpu.VMEM((g, 1), jnp.float32),
        ],
    )(z1, batch3d, sums, wg2, wf1_pad, wf2_pad, vecs)



def kernel(x, pos, edge_index, batch, W_emb_in, b_emb_in, We1, be1, We2, be2,
           Wc1, bc1, Wc2, Wn1, bn1, Wn2, bn2, W_emb_out, b_emb_out, Wg1, bg1,
           gamma, beta, Wg2, bg2, Wf1, bf1, Wf2, bf2):
    n = x.shape[0]
    e = edge_index.shape[1]
    g = 64
    n_pad = ((n + 1 + 1023) // 1024) * 1024
    sc_chunks = -(-e // (32 * _SC_K))
    e_pad = sc_chunks * 32 * _SC_K

    row = edge_index[0]
    col = edge_index[1]
    pad_e = e_pad - e
    row_p = jnp.concatenate([row.astype(jnp.int32),
                             jnp.full((pad_e,), n, jnp.int32)])
    col_p = jnp.concatenate([col.astype(jnp.int32),
                             jnp.full((pad_e,), n, jnp.int32)])
    zeros_nh = jnp.zeros((n_pad, H), jnp.float32)

    rec = jnp.concatenate(
        [x, pos, jnp.zeros((n, 12), jnp.float32)], axis=1)
    rec = jnp.concatenate(
        [rec, jnp.zeros((n_pad - n, 16), jnp.float32)], axis=0)

    w_emb = W_emb_in[0]
    aA = w_emb @ We1[:H]
    aB = w_emb @ We1[H:2 * H]
    aR = We1[2 * H]
    c0 = b_emb_in @ We1[:H] + b_emb_in @ We1[H:2 * H] + be1

    eye8 = jnp.eye(8, dtype=jnp.float32)
    A16 = jnp.zeros((16, H), jnp.float32).at[0].set(aA)
    B16 = jnp.zeros((16, H), jnp.float32).at[0].set(aB)
    S16 = jnp.zeros((16, 16), jnp.float32).at[1:4].set(1.0)
    W2_16 = jnp.concatenate([We2, jnp.zeros((16 - H, H), jnp.float32)])
    mats = jnp.stack([jnp.kron(eye8, A16), jnp.kron(eye8, B16),
                      jnp.kron(eye8, S16), jnp.kron(eye8, W2_16)])
    dmask16 = jnp.zeros((16,), jnp.float32).at[1:4].set(1.0)
    tile8 = lambda v: jnp.tile(v, 8)
    edge_vecs = jnp.stack(
        [tile8(dmask16), tile8(aR), tile8(c0), tile8(be2),
         jnp.zeros((128,), jnp.float32), jnp.zeros((128,), jnp.float32),
         jnp.zeros((128,), jnp.float32), jnp.zeros((128,), jnp.float32)])

    rrow = _sc_gather(rec, row_p, sc_chunks)
    rcol = _sc_gather(rec, col_p, sc_chunks)

    m128 = _edge_mlp(rrow.reshape(-1, 128), rcol.reshape(-1, 128),
                     mats, edge_vecs)
    m = m128.reshape(e_pad, H)

    agg_pair = _sc_scatadd(m, row_p, zeros_nh, sc_chunks)
    agg0 = agg_pair[:n_pad]
    agg1 = agg_pair[n_pad:]

    x2d = jnp.concatenate([x, jnp.zeros((n_pad - n, 1), jnp.float32)], axis=0)
    node_vecs = jnp.stack(
        [w_emb, b_emb_in, bn1, bn2, b_emb_out, jnp.zeros_like(bn1),
         jnp.zeros_like(bn1), jnp.zeros_like(bn1)])
    node_mats = jnp.stack([Wn1[:H], Wn1[H:], Wn2, W_emb_out])
    h3 = _node_stage(x2d, agg0, agg1, node_vecs, node_mats)

    gathered = _sc_gather(h3, col_p, sc_chunks)
    nbr_pair = _sc_scatadd(gathered, row_p, zeros_nh, sc_chunks)
    nbr0 = nbr_pair[:n_pad]
    nbr1 = nbr_pair[n_pad:]

    z1, sums = _z1_stage(h3, nbr0, nbr1, Wg1, bg1.reshape(1, H), n)

    batch_p = jnp.concatenate(
        [batch.astype(jnp.int32), jnp.full((n_pad - n,), g, jnp.int32)])
    final_vecs = jnp.stack([gamma, beta, bg2, bf1, jnp.zeros_like(bf1),
                            jnp.zeros_like(bf1), jnp.zeros_like(bf1),
                            jnp.zeros_like(bf1)])
    wf1_pad = jnp.concatenate([Wf1, jnp.zeros((40 - 33, H), jnp.float32)])
    wf2_pad = jnp.concatenate([Wf2, jnp.zeros((H, H - 10), jnp.float32)],
                              axis=1)
    out = _final_stage(z1, batch_p.reshape(-1, 1, 512), sums, Wg2, wf1_pad,
                       wf2_pad, final_vecs, n)
    return out[:, :10]

# --- scband reference (transcript-rebuilt; emitter-appended) ---
"""Pipeline reference for scband-equiv-baseline-11613591568979 (READ-ONLY COPY).

The authoritative reference and input builder live on the scoring server;
editing this copy changes nothing except your own understanding.
"""

import jax, jax.numpy as jnp
import numpy as np

N = 100000
E = 3200000
G = 64
H = 16
C = 10

def _dense(k, i, o):
    return jax.random.normal(k, (i, o), dtype=jnp.float32) / np.sqrt(i)

def setup_inputs(seed: int = 0) -> dict:
    key = jax.random.key(seed)
    ks = jax.random.split(key, 24)
    inp = {}
    inp["x"] = jax.random.normal(ks[0], (N, 1), dtype=jnp.float32)
    inp["pos"] = jax.random.normal(ks[1], (N, 3), dtype=jnp.float32)
    inp["edge_index"] = jax.random.randint(ks[2], (2, E), 0, N)
    inp["batch"] = jnp.sort(jax.random.randint(ks[3], (N,), 0, G))
    inp["W_emb_in"] = _dense(ks[4], 1, H); inp["b_emb_in"] = jnp.zeros((H,), jnp.float32)
    inp["We1"] = _dense(ks[5], 2 * H + 1, H); inp["be1"] = jnp.zeros((H,), jnp.float32)
    inp["We2"] = _dense(ks[6], H, H); inp["be2"] = jnp.zeros((H,), jnp.float32)
    inp["Wc1"] = _dense(ks[7], H, H); inp["bc1"] = jnp.zeros((H,), jnp.float32)
    inp["Wc2"] = _dense(ks[8], H, 1)
    inp["Wn1"] = _dense(ks[9], 2 * H, H); inp["bn1"] = jnp.zeros((H,), jnp.float32)
    inp["Wn2"] = _dense(ks[10], H, H); inp["bn2"] = jnp.zeros((H,), jnp.float32)
    inp["W_emb_out"] = _dense(ks[11], H, H); inp["b_emb_out"] = jnp.zeros((H,), jnp.float32)
    inp["Wg1"] = _dense(ks[12], H, H); inp["bg1"] = jnp.zeros((H,), jnp.float32)
    inp["gamma"] = jnp.ones((H,), jnp.float32); inp["beta"] = jnp.zeros((H,), jnp.float32)
    inp["Wg2"] = _dense(ks[13], H, H); inp["bg2"] = jnp.zeros((H,), jnp.float32)
    inp["Wf1"] = _dense(ks[14], 2 * H + 1, H); inp["bf1"] = jnp.zeros((H,), jnp.float32)
    inp["Wf2"] = _dense(ks[15], H, C); inp["bf2"] = jnp.zeros((C,), jnp.float32)
    return inp

def reference(x, pos, edge_index, batch, W_emb_in, b_emb_in, We1, be1, We2, be2, Wc1, bc1, Wc2, Wn1, bn1, Wn2, bn2, W_emb_out, b_emb_out, Wg1, bg1, gamma, beta, Wg2, bg2, Wf1, bf1, Wf2, bf2):
    silu = jax.nn.silu
    row = edge_index[0]
    col = edge_index[1]
    # EGNN: input embedding
    h = x @ W_emb_in + b_emb_in
    # E_GCL layer: edge model
    coord_diff = pos[row] - pos[col]
    radial = jnp.sum(coord_diff ** 2, axis=1, keepdims=True)
    m = silu(jnp.concatenate([h[row], h[col], radial], axis=1) @ We1 + be1)
    m = silu(m @ We2 + be2)
    # coordinate model (mean aggregation)
    trans = coord_diff * (silu(m @ Wc1 + bc1) @ Wc2)
    deg = jax.ops.segment_sum(jnp.ones((E, 1), jnp.float32), row, num_segments=N)
    pos_out = pos + jax.ops.segment_sum(trans, row, num_segments=N) / jnp.maximum(deg, 1.0)
    # node model with residual
    agg = jax.ops.segment_sum(m, row, num_segments=N)
    h = h + (silu(jnp.concatenate([h, agg], axis=1) @ Wn1 + bn1) @ Wn2 + bn2)
    # EGNN: output embedding
    h = h @ W_emb_out + b_emb_out
    # GINConv (eps=0): MLP(h + sum_neighbors)
    nbr = jax.ops.segment_sum(h[col], row, num_segments=N)
    z = (h + nbr) @ Wg1 + bg1
    mu = jnp.mean(z, axis=0)
    var = jnp.var(z, axis=0)
    z = (z - mu) / jnp.sqrt(var + 1e-5) * gamma + beta
    z = jax.nn.relu(z)
    z = z @ Wg2 + bg2
    # global mean + max pool, plus graph-size scalar (the +1 feature)
    counts = jax.ops.segment_sum(jnp.ones((N,), jnp.float32), batch, num_segments=G)
    meanp = jax.ops.segment_sum(z, batch, num_segments=G) / jnp.maximum(counts, 1.0)[:, None]
    maxp = jax.ops.segment_max(z, batch, num_segments=G)
    maxp = jnp.where(counts[:, None] > 0, maxp, 0.0)
    feat = jnp.concatenate([meanp, maxp, counts[:, None]], axis=1)
    # classifier (dropout = identity at eval), ELU(alpha=0.1), Softmax
    o = feat @ Wf1 + bf1
    o = jnp.where(o > 0, o, 0.1 * jnp.expm1(o))
    o = o @ Wf2 + bf2
    return jax.nn.softmax(o, axis=1)

if __name__ == "__main__":
    import jax
    _d = setup_inputs()
    print(jax.jit(kernel)(*tuple(_d.values())))

</pallas_src>

<mosaic_0001>
#map = affine_map<(d0, d1) -> (0, 0)>
#map1 = affine_map<(d0, d1) -> (0)>
module attributes {stable_mosaic.version = 14 : i64} {
  func.func @_sc_gather_body(%arg0: i32, %arg1: i32, %arg2: memref<100352x16xf32, #tpu.memory_space<hbm>>, %arg3: memref<3211264xi32, #tpu.memory_space<hbm>>, %arg4: memref<3211264x16xf32, #tpu.memory_space<hbm>>, %arg5: memref<1024xi32, #tpu.memory_space<vmem>>, %arg6: memref<1024x16xf32, #tpu.memory_space<vmem>>, %arg7: memref<100352x16xf32, #tpu.memory_space<vmem_shared>>) attributes {dimension_semantics = [#tpu.dimension_semantics<core_parallel>, #tpu.dimension_semantics<subcore_parallel>], iteration_bounds = array<i64: 2, 16>, scalar_prefetch = 0 : i64, scratch_operands = 3 : i64, tpu.core_type = #tpu.core_type<sc_vector_subcore>, window_params = [{transform_indices = #map}, {transform_indices = #map1}, {transform_indices = #map}]} {
    %mul3A = arith.constant 16 : i32
    %mul3A_0 = arith.muli %arg0, %mul3A : i32
    %add3A = arith.addi %mul3A_0, %arg1 : i32
    %mul3A_1 = arith.constant 100352 : i32
    %mul3A_2 = arith.muli %add3A, %mul3A_1 : i32
    %mul3A_3 = arith.constant 6272 : i32
    %mul3A_4 = arith.muli %arg1, %mul3A_3 : i32
    %mul3A_5 = arith.constant 6272 : i32
    %mul3A_6 = arith.muli %arg1, %mul3A_5 : i32
    "tpu.region"() ({
      %run_scoped3A = tpu.sem_alloc : memref<!tpu.dma_semaphore, #tpu.memory_space<semaphore_mem>>
      %dma_start3A = arith.constant 0 : i32
      %dma_start3A_12 = tpu.memref_slice %arg7[%mul3A_6, %dma_start3A] : memref<100352x16xf32, #tpu.memory_space<vmem_shared>> -> memref<6272x16xf32, #tpu.memory_space<vmem_shared>>
      %dma_start3A_13 = arith.constant 0 : i32
      %dma_start3A_14 = tpu.memref_slice %arg2[%mul3A_4, %dma_start3A_13] : memref<100352x16xf32, #tpu.memory_space<hbm>> -> memref<6272x16xf32, #tpu.memory_space<hbm>>
      tpu.enqueue_dma source(%dma_start3A_14 : memref<6272x16xf32, #tpu.memory_space<hbm>>) target(%dma_start3A_12 : memref<6272x16xf32, #tpu.memory_space<vmem_shared>>) target_semaphore(%run_scoped3A : memref<!tpu.dma_semaphore, #tpu.memory_space<semaphore_mem>>)
      %dma_wait3A = arith.constant 0 : i32
      %dma_wait3A_15 = tpu.memref_slice %arg7[%mul3A_6, %dma_wait3A] : memref<100352x16xf32, #tpu.memory_space<vmem_shared>> -> memref<6272x16xf32, #tpu.memory_space<vmem_shared>>
      %dma_wait3A_16 = arith.constant 0 : i32
      %dma_wait3A_17 = tpu.memref_slice %arg2[%mul3A_4, %dma_wait3A_16] : memref<100352x16xf32, #tpu.memory_space<hbm>> -> memref<6272x16xf32, #tpu.memory_space<hbm>>
      tpu.wait_dma2 semaphore(%run_scoped3A : memref<!tpu.dma_semaphore, #tpu.memory_space<semaphore_mem>>) src(%dma_wait3A_17 : memref<6272x16xf32, #tpu.memory_space<hbm>>) dst(%dma_wait3A_15 : memref<6272x16xf32, #tpu.memory_space<vmem_shared>>)
      tpu.yield
    }) : () -> ()
    %barrier3A = arith.constant 0 : index
    tpu.barrier barrier_id(%barrier3A)
    %scan3A = arith.constant 0 : i32
    %scan3A_7 = arith.constant 0 : i32
    %scan3A_8 = arith.constant 98 : i32
    %scan3A_9 = arith.addi %scan3A_7, %scan3A_8 : i32
    %scan3A_10 = arith.constant 1 : i32
    scf.for %scan3A_12 = %scan3A_7 to %scan3A_9 step %scan3A_10  : i32 {
      %mul3A_13 = arith.constant 1024 : i32
      %mul3A_14 = arith.muli %scan3A_12, %mul3A_13 : i32
      %add3A_15 = arith.addi %mul3A_2, %mul3A_14 : i32
      %multiple_of3A = tpu.assume_multiple %add3A_15, 1024 : i32
      "tpu.region"() ({
        %run_scoped3A = tpu.sem_alloc : memref<!tpu.dma_semaphore, #tpu.memory_space<semaphore_mem>>
        %dma_start3A = tpu.memref_slice %arg3[%multiple_of3A] : memref<3211264xi32, #tpu.memory_space<hbm>> -> memref<1024xi32, #tpu.memory_space<hbm>>
        %dma_start3A_16 = tpu.memref_slice %arg3[%multiple_of3A] : memref<3211264xi32, #tpu.memory_space<hbm>> -> memref<1024xi32, #tpu.memory_space<hbm>>
        tpu.enqueue_dma source(%dma_start3A_16 : memref<1024xi32, #tpu.memory_space<hbm>>) target(%arg5 : memref<1024xi32, #tpu.memory_space<vmem>>) target_semaphore(%run_scoped3A : memref<!tpu.dma_semaphore, #tpu.memory_space<semaphore_mem>>)
        %dma_wait3A = tpu.memref_slice %arg3[%multiple_of3A] : memref<3211264xi32, #tpu.memory_space<hbm>> -> memref<1024xi32, #tpu.memory_space<hbm>>
        %dma_wait3A_17 = tpu.memref_slice %arg3[%multiple_of3A] : memref<3211264xi32, #tpu.memory_space<hbm>> -> memref<1024xi32, #tpu.memory_space<hbm>>
        tpu.wait_dma2 semaphore(%run_scoped3A : memref<!tpu.dma_semaphore, #tpu.memory_space<semaphore_mem>>) src(%dma_wait3A_17 : memref<1024xi32, #tpu.memory_space<hbm>>) dst(%arg5 : memref<1024xi32, #tpu.memory_space<vmem>>)
        tpu.yield
      }) : () -> ()
      "tpu.region"() ({
        %run_scoped3A = tpu.sem_alloc : memref<!tpu.dma_semaphore, #tpu.memory_space<semaphore_mem>>
        %dma_start3A = arith.constant 0 : i32
        %dma_start3A_16 = arith.constant 0 : i32
        %dma_start3A_17 = tpu.memref_slice %arg7[%dma_start3A, %dma_start3A_16] : memref<100352x16xf32, #tpu.memory_space<vmem_shared>> -> memref<100352x16xf32, #tpu.memory_space<vmem_shared>>
        tpu.enqueue_indirect_dma source(%dma_start3A_17 : memref<100352x16xf32, #tpu.memory_space<vmem_shared>>) target(%arg6 : memref<1024x16xf32, #tpu.memory_space<vmem>>) offsets(%arg5 : memref<1024xi32, #tpu.memory_space<vmem>>) semaphore(%run_scoped3A : memref<!tpu.dma_semaphore, #tpu.memory_space<semaphore_mem>>)
        %dma_wait3A = arith.constant 0 : i32
        %dma_wait3A_18 = arith.constant 0 : i32
        %dma_wait3A_19 = tpu.memref_slice %arg7[%dma_wait3A, %dma_wait3A_18] : memref<100352x16xf32, #tpu.memory_space<vmem_shared>> -> memref<100352x16xf32, #tpu.memory_space<vmem_shared>>
        tpu.wait_indirect_dma semaphore(%run_scoped3A : memref<!tpu.dma_semaphore, #tpu.memory_space<semaphore_mem>>) src(%dma_wait3A_19 : memref<100352x16xf32, #tpu.memory_space<vmem_shared>>) dst(%arg6 : memref<1024x16xf32, #tpu.memory_space<vmem>>)
        tpu.yield
      }) : () -> ()
      "tpu.region"() ({
        %run_scoped3A = tpu.sem_alloc : memref<!tpu.dma_semaphore, #tpu.memory_space<semaphore_mem>>
        %dma_start3A = arith.constant 0 : i32
        %dma_start3A_16 = tpu.memref_slice %arg4[%multiple_of3A, %dma_start3A] : memref<3211264x16xf32, #tpu.memory_space<hbm>> -> memref<1024x16xf32, #tpu.memory_space<hbm>>
        %dma_start3A_17 = arith.constant 0 : i32
        %dma_start3A_18 = tpu.memref_slice %arg4[%multiple_of3A, %dma_start3A_17] : memref<3211264x16xf32, #tpu.memory_space<hbm>> -> memref<1024x16xf32, #tpu.memory_space<hbm>>
        tpu.enqueue_dma source(%arg6 : memref<1024x16xf32, #tpu.memory_space<vmem>>) target(%dma_start3A_18 : memref<1024x16xf32, #tpu.memory_space<hbm>>) target_semaphore(%run_scoped3A : memref<!tpu.dma_semaphore, #tpu.memory_space<semaphore_mem>>)
        %dma_wait3A = arith.constant 0 : i32
        %dma_wait3A_19 = tpu.memref_slice %arg4[%multiple_of3A, %dma_wait3A] : memref<3211264x16xf32, #tpu.memory_space<hbm>> -> memref<1024x16xf32, #tpu.memory_space<hbm>>
        %dma_wait3A_20 = arith.constant 0 : i32
        %dma_wait3A_21 = tpu.memref_slice %arg4[%multiple_of3A, %dma_wait3A_20] : memref<3211264x16xf32, #tpu.memory_space<hbm>> -> memref<1024x16xf32, #tpu.memory_space<hbm>>
        tpu.wait_dma2 semaphore(%run_scoped3A : memref<!tpu.dma_semaphore, #tpu.memory_space<semaphore_mem>>) src(%arg6 : memref<1024x16xf32, #tpu.memory_space<vmem>>) dst(%dma_wait3A_21 : memref<1024x16xf32, #tpu.memory_space<hbm>>)
        tpu.yield
      }) : () -> ()
    }
    %scan3A_11 = arith.constant 98 : i32
    return
  }
}

#map = affine_map<(d0, d1) -> (0, 0)>
#map1 = affine_map<(d0, d1) -> (0)>
module attributes {stable_mosaic.version = 14 : i64} {
  func.func @_sc_gather_body(%arg0: i32, %arg1: i32, %arg2: memref<100352x16xf32, #tpu.memory_space<hbm>>, %arg3: memref<3211264xi32, #tpu.memory_space<hbm>>, %arg4: memref<3211264x16xf32, #tpu.memory_space<hbm>>, %arg5: memref<1024xi32, #tpu.memory_space<vmem>>, %arg6: memref<1024x16xf32, #tpu.memory_space<vmem>>, %arg7: memref<100352x16xf32, #tpu.memory_space<vmem_shared>>) attributes {dimension_semantics = [#tpu.dimension_semantics<core_parallel>, #tpu.dimension_semantics<subcore_parallel>], iteration_bounds = array<i64: 2, 16>, scalar_prefetch = 0 : i64, scratch_operands = 3 : i64, tpu.core_type = #tpu.core_type<sc_vector_subcore>, window_params = [{transform_indices = #map}, {transform_indices = #map1}, {transform_indices = #map}]} {
    %mul3A = arith.constant 16 : i32
    %mul3A_0 = arith.muli %arg0, %mul3A : i32
    %add3A = arith.addi %mul3A_0, %arg1 : i32
    %mul3A_1 = arith.constant 100352 : i32
    %mul3A_2 = arith.muli %add3A, %mul3A_1 : i32
    %mul3A_3 = arith.constant 6272 : i32
    %mul3A_4 = arith.muli %arg1, %mul3A_3 : i32
    %mul3A_5 = arith.constant 6272 : i32
    %mul3A_6 = arith.muli %arg1, %mul3A_5 : i32
    "tpu.region"() ({
      %run_scoped3A = tpu.sem_alloc : memref<!tpu.dma_semaphore, #tpu.memory_space<semaphore_mem>>
      %dma_start3A = arith.constant 0 : i32
      %dma_start3A_12 = tpu.memref_slice %arg7[%mul3A_6, %dma_start3A] : memref<100352x16xf32, #tpu.memory_space<vmem_shared>> -> memref<6272x16xf32, #tpu.memory_space<vmem_shared>>
      %dma_start3A_13 = arith.constant 0 : i32
      %dma_start3A_14 = tpu.memref_slice %arg2[%mul3A_4, %dma_start3A_13] : memref<100352x16xf32, #tpu.memory_space<hbm>> -> memref<6272x16xf32, #tpu.memory_space<hbm>>
      tpu.enqueue_dma source(%dma_start3A_14 : memref<6272x16xf32, #tpu.memory_space<hbm>>) target(%dma_start3A_12 : memref<6272x16xf32, #tpu.memory_space<vmem_shared>>) target_semaphore(%run_scoped3A : memref<!tpu.dma_semaphore, #tpu.memory_space<semaphore_mem>>)
      %dma_wait3A = arith.constant 0 : i32
      %dma_wait3A_15 = tpu.memref_slice %arg7[%mul3A_6, %dma_wait3A] : memref<100352x16xf32, #tpu.memory_space<vmem_shared>> -> memref<6272x16xf32, #tpu.memory_space<vmem_shared>>
      %dma_wait3A_16 = arith.constant 0 : i32
      %dma_wait3A_17 = tpu.memref_slice %arg2[%mul3A_4, %dma_wait3A_16] : memref<100352x16xf32, #tpu.memory_space<hbm>> -> memref<6272x16xf32, #tpu.memory_space<hbm>>
      tpu.wait_dma2 semaphore(%run_scoped3A : memref<!tpu.dma_semaphore, #tpu.memory_space<semaphore_mem>>) src(%dma_wait3A_17 : memref<6272x16xf32, #tpu.memory_space<hbm>>) dst(%dma_wait3A_15 : memref<6272x16xf32, #tpu.memory_space<vmem_shared>>)
      tpu.yield
    }) : () -> ()
    %barrier3A = arith.constant 0 : index
    tpu.barrier barrier_id(%barrier3A)
    %scan3A = arith.constant 0 : i32
    %scan3A_7 = arith.constant 0 : i32
    %scan3A_8 = arith.constant 98 : i32
    %scan3A_9 = arith.addi %scan3A_7, %scan3A_8 : i32
    %scan3A_10 = arith.constant 1 : i32
    scf.for %scan3A_12 = %scan3A_7 to %scan3A_9 step %scan3A_10  : i32 {
      %mul3A_13 = arith.constant 1024 : i32
      %mul3A_14 = arith.muli %scan3A_12, %mul3A_13 : i32
      %add3A_15 = arith.addi %mul3A_2, %mul3A_14 : i32
      %multiple_of3A = tpu.assume_multiple %add3A_15, 1024 : i32
      "tpu.region"() ({
        %run_scoped3A = tpu.sem_alloc : memref<!tpu.dma_semaphore, #tpu.memory_space<semaphore_mem>>
        %dma_start3A = tpu.memref_slice %arg3[%multiple_of3A] : memref<3211264xi32, #tpu.memory_space<hbm>> -> memref<1024xi32, #tpu.memory_space<hbm>>
        %dma_start3A_16 = tpu.memref_slice %arg3[%multiple_of3A] : memref<3211264xi32, #tpu.memory_space<hbm>> -> memref<1024xi32, #tpu.memory_space<hbm>>
        tpu.enqueue_dma source(%dma_start3A_16 : memref<1024xi32, #tpu.memory_space<hbm>>) target(%arg5 : memref<1024xi32, #tpu.memory_space<vmem>>) target_semaphore(%run_scoped3A : memref<!tpu.dma_semaphore, #tpu.memory_space<semaphore_mem>>)
        %dma_wait3A = tpu.memref_slice %arg3[%multiple_of3A] : memref<3211264xi32, #tpu.memory_space<hbm>> -> memref<1024xi32, #tpu.memory_space<hbm>>
        %dma_wait3A_17 = tpu.memref_slice %arg3[%multiple_of3A] : memref<3211264xi32, #tpu.memory_space<hbm>> -> memref<1024xi32, #tpu.memory_space<hbm>>
        tpu.wait_dma2 semaphore(%run_scoped3A : memref<!tpu.dma_semaphore, #tpu.memory_space<semaphore_mem>>) src(%dma_wait3A_17 : memref<1024xi32, #tpu.memory_space<hbm>>) dst(%arg5 : memref<1024xi32, #tpu.memory_space<vmem>>)
        tpu.yield
      }) : () -> ()
      "tpu.region"() ({
        %run_scoped3A = tpu.sem_alloc : memref<!tpu.dma_semaphore, #tpu.memory_space<semaphore_mem>>
        %dma_start3A = arith.constant 0 : i32
        %dma_start3A_16 = arith.constant 0 : i32
        %dma_start3A_17 = tpu.memref_slice %arg7[%dma_start3A, %dma_start3A_16] : memref<100352x16xf32, #tpu.memory_space<vmem_shared>> -> memref<100352x16xf32, #tpu.memory_space<vmem_shared>>
        tpu.enqueue_indirect_dma source(%dma_start3A_17 : memref<100352x16xf32, #tpu.memory_space<vmem_shared>>) target(%arg6 : memref<1024x16xf32, #tpu.memory_space<vmem>>) offsets(%arg5 : memref<1024xi32, #tpu.memory_space<vmem>>) semaphore(%run_scoped3A : memref<!tpu.dma_semaphore, #tpu.memory_space<semaphore_mem>>)
        %dma_wait3A = arith.constant 0 : i32
        %dma_wait3A_18 = arith.constant 0 : i32
        %dma_wait3A_19 = tpu.memref_slice %arg7[%dma_wait3A, %dma_wait3A_18] : memref<100352x16xf32, #tpu.memory_space<vmem_shared>> -> memref<100352x16xf32, #tpu.memory_space<vmem_shared>>
        tpu.wait_indirect_dma semaphore(%run_scoped3A : memref<!tpu.dma_semaphore, #tpu.memory_space<semaphore_mem>>) src(%dma_wait3A_19 : memref<100352x16xf32, #tpu.memory_space<vmem_shared>>) dst(%arg6 : memref<1024x16xf32, #tpu.memory_space<vmem>>)
        tpu.yield
      }) : () -> ()
      "tpu.region"() ({
        %run_scoped3A = tpu.sem_alloc : memref<!tpu.dma_semaphore, #tpu.memory_space<semaphore_mem>>
        %dma_start3A = arith.constant 0 : i32
        %dma_start3A_16 = tpu.memref_slice %arg4[%multiple_of3A, %dma_start3A] : memref<3211264x16xf32, #tpu.memory_space<hbm>> -> memref<1024x16xf32, #tpu.memory_space<hbm>>
        %dma_start3A_17 = arith.constant 0 : i32
        %dma_start3A_18 = tpu.memref_slice %arg4[%multiple_of3A, %dma_start3A_17] : memref<3211264x16xf32, #tpu.memory_space<hbm>> -> memref<1024x16xf32, #tpu.memory_space<hbm>>
        tpu.enqueue_dma source(%arg6 : memref<1024x16xf32, #tpu.memory_space<vmem>>) target(%dma_start3A_18 : memref<1024x16xf32, #tpu.memory_space<hbm>>) target_semaphore(%run_scoped3A : memref<!tpu.dma_semaphore, #tpu.memory_space<semaphore_mem>>)
        %dma_wait3A = arith.constant 0 : i32
        %dma_wait3A_19 = tpu.memref_slice %arg4[%multiple_of3A, %dma_wait3A] : memref<3211264x16xf32, #tpu.memory_space<hbm>> -> memref<1024x16xf32, #tpu.memory_space<hbm>>
        %dma_wait3A_20 = arith.constant 0 : i32
        %dma_wait3A_21 = tpu.memref_slice %arg4[%multiple_of3A, %dma_wait3A_20] : memref<3211264x16xf32, #tpu.memory_space<hbm>> -> memref<1024x16xf32, #tpu.memory_space<hbm>>
        tpu.wait_dma2 semaphore(%run_scoped3A : memref<!tpu.dma_semaphore, #tpu.memory_space<semaphore_mem>>) src(%arg6 : memref<1024x16xf32, #tpu.memory_space<vmem>>) dst(%dma_wait3A_21 : memref<1024x16xf32, #tpu.memory_space<hbm>>)
        tpu.yield
      }) : () -> ()
    }
    %scan3A_11 = arith.constant 98 : i32
    return
  }
}

#map = affine_map<(d0, d1) -> (0, 0)>
#map1 = affine_map<(d0, d1) -> (0)>
module attributes {stable_mosaic.version = 14 : i64} {
  func.func @_sc_scatadd_body(%arg0: i32, %arg1: i32, %arg2: memref<3211264x16xf32, #tpu.memory_space<hbm>>, %arg3: memref<3211264xi32, #tpu.memory_space<hbm>>, %arg4: memref<100352x16xf32, #tpu.memory_space<hbm>>, %arg5: memref<200704x16xf32, #tpu.memory_space<hbm>>, %arg6: memref<1024xi32, #tpu.memory_space<vmem>>, %arg7: memref<1024x16xf32, #tpu.memory_space<vmem>>, %arg8: memref<100352x16xf32, #tpu.memory_space<vmem_shared>>) attributes {dimension_semantics = [#tpu.dimension_semantics<core_parallel>, #tpu.dimension_semantics<subcore_parallel>], iteration_bounds = array<i64: 2, 16>, scalar_prefetch = 0 : i64, scratch_operands = 3 : i64, tpu.core_type = #tpu.core_type<sc_vector_subcore>, window_params = [{transform_indices = #map}, {transform_indices = #map1}, {transform_indices = #map}, {transform_indices = #map}]} {
    %mul3A = arith.constant 16 : i32
    %mul3A_0 = arith.muli %arg0, %mul3A : i32
    %add3A = arith.addi %mul3A_0, %arg1 : i32
    %mul3A_1 = arith.constant 100352 : i32
    %mul3A_2 = arith.muli %add3A, %mul3A_1 : i32
    %mul3A_3 = arith.constant 6272 : i32
    %mul3A_4 = arith.muli %arg1, %mul3A_3 : i32
    %mul3A_5 = arith.constant 6272 : i32
    %mul3A_6 = arith.muli %arg1, %mul3A_5 : i32
    "tpu.region"() ({
      %run_scoped3A = tpu.sem_alloc : memref<!tpu.dma_semaphore, #tpu.memory_space<semaphore_mem>>
      %dma_start3A = arith.constant 0 : i32
      %dma_start3A_20 = tpu.memref_slice %arg8[%mul3A_6, %dma_start3A] : memref<100352x16xf32, #tpu.memory_space<vmem_shared>> -> memref<6272x16xf32, #tpu.memory_space<vmem_shared>>
      %dma_start3A_21 = arith.constant 0 : i32
      %dma_start3A_22 = tpu.memref_slice %arg4[%mul3A_4, %dma_start3A_21] : memref<100352x16xf32, #tpu.memory_space<hbm>> -> memref<6272x16xf32, #tpu.memory_space<hbm>>
      tpu.enqueue_dma source(%dma_start3A_22 : memref<6272x16xf32, #tpu.memory_space<hbm>>) target(%dma_start3A_20 : memref<6272x16xf32, #tpu.memory_space<vmem_shared>>) target_semaphore(%run_scoped3A : memref<!tpu.dma_semaphore, #tpu.memory_space<semaphore_mem>>)
      %dma_wait3A = arith.constant 0 : i32
      %dma_wait3A_23 = tpu.memref_slice %arg8[%mul3A_6, %dma_wait3A] : memref<100352x16xf32, #tpu.memory_space<vmem_shared>> -> memref<6272x16xf32, #tpu.memory_space<vmem_shared>>
      %dma_wait3A_24 = arith.constant 0 : i32
      %dma_wait3A_25 = tpu.memref_slice %arg4[%mul3A_4, %dma_wait3A_24] : memref<100352x16xf32, #tpu.memory_space<hbm>> -> memref<6272x16xf32, #tpu.memory_space<hbm>>
      tpu.wait_dma2 semaphore(%run_scoped3A : memref<!tpu.dma_semaphore, #tpu.memory_space<semaphore_mem>>) src(%dma_wait3A_25 : memref<6272x16xf32, #tpu.memory_space<hbm>>) dst(%dma_wait3A_23 : memref<6272x16xf32, #tpu.memory_space<vmem_shared>>)
      tpu.yield
    }) : () -> ()
    %barrier3A = arith.constant 0 : index
    tpu.barrier barrier_id(%barrier3A)
    %scan3A = arith.constant 0 : i32
    %scan3A_7 = arith.constant 0 : i32
    %scan3A_8 = arith.constant 98 : i32
    %scan3A_9 = arith.addi %scan3A_7, %scan3A_8 : i32
    %scan3A_10 = arith.constant 1 : i32
    scf.for %scan3A_20 = %scan3A_7 to %scan3A_9 step %scan3A_10  : i32 {
      %mul3A_21 = arith.constant 1024 : i32
      %mul3A_22 = arith.muli %scan3A_20, %mul3A_21 : i32
      %add3A_23 = arith.addi %mul3A_2, %mul3A_22 : i32
      %multiple_of3A_24 = tpu.assume_multiple %add3A_23, 1024 : i32
      "tpu.region"() ({
        %run_scoped3A = tpu.sem_alloc : memref<!tpu.dma_semaphore, #tpu.memory_space<semaphore_mem>>
        %dma_start3A = tpu.memref_slice %arg3[%multiple_of3A_24] : memref<3211264xi32, #tpu.memory_space<hbm>> -> memref<1024xi32, #tpu.memory_space<hbm>>
        %dma_start3A_25 = tpu.memref_slice %arg3[%multiple_of3A_24] : memref<3211264xi32, #tpu.memory_space<hbm>> -> memref<1024xi32, #tpu.memory_space<hbm>>
        tpu.enqueue_dma source(%dma_start3A_25 : memref<1024xi32, #tpu.memory_space<hbm>>) target(%arg6 : memref<1024xi32, #tpu.memory_space<vmem>>) target_semaphore(%run_scoped3A : memref<!tpu.dma_semaphore, #tpu.memory_space<semaphore_mem>>)
        %dma_wait3A = tpu.memref_slice %arg3[%multiple_of3A_24] : memref<3211264xi32, #tpu.memory_space<hbm>> -> memref<1024xi32, #tpu.memory_space<hbm>>
        %dma_wait3A_26 = tpu.memref_slice %arg3[%multiple_of3A_24] : memref<3211264xi32, #tpu.memory_space<hbm>> -> memref<1024xi32, #tpu.memory_space<hbm>>
        tpu.wait_dma2 semaphore(%run_scoped3A : memref<!tpu.dma_semaphore, #tpu.memory_space<semaphore_mem>>) src(%dma_wait3A_26 : memref<1024xi32, #tpu.memory_space<hbm>>) dst(%arg6 : memref<1024xi32, #tpu.memory_space<vmem>>)
        tpu.yield
      }) : () -> ()
      "tpu.region"() ({
        %run_scoped3A = tpu.sem_alloc : memref<!tpu.dma_semaphore, #tpu.memory_space<semaphore_mem>>
        %dma_start3A = arith.constant 0 : i32
        %dma_start3A_25 = tpu.memref_slice %arg2[%multiple_of3A_24, %dma_start3A] : memref<3211264x16xf32, #tpu.memory_space<hbm>> -> memref<1024x16xf32, #tpu.memory_space<hbm>>
        %dma_start3A_26 = arith.constant 0 : i32
        %dma_start3A_27 = tpu.memref_slice %arg2[%multiple_of3A_24, %dma_start3A_26] : memref<3211264x16xf32, #tpu.memory_space<hbm>> -> memref<1024x16xf32, #tpu.memory_space<hbm>>
        tpu.enqueue_dma source(%dma_start3A_27 : memref<1024x16xf32, #tpu.memory_space<hbm>>) target(%arg7 : memref<1024x16xf32, #tpu.memory_space<vmem>>) target_semaphore(%run_scoped3A : memref<!tpu.dma_semaphore, #tpu.memory_space<semaphore_mem>>)
        %dma_wait3A = arith.constant 0 : i32
        %dma_wait3A_28 = tpu.memref_slice %arg2[%multiple_of3A_24, %dma_wait3A] : memref<3211264x16xf32, #tpu.memory_space<hbm>> -> memref<1024x16xf32, #tpu.memory_space<hbm>>
        %dma_wait3A_29 = arith.constant 0 : i32
        %dma_wait3A_30 = tpu.memref_slice %arg2[%multiple_of3A_24, %dma_wait3A_29] : memref<3211264x16xf32, #tpu.memory_space<hbm>> -> memref<1024x16xf32, #tpu.memory_space<hbm>>
        tpu.wait_dma2 semaphore(%run_scoped3A : memref<!tpu.dma_semaphore, #tpu.memory_space<semaphore_mem>>) src(%dma_wait3A_30 : memref<1024x16xf32, #tpu.memory_space<hbm>>) dst(%arg7 : memref<1024x16xf32, #tpu.memory_space<vmem>>)
        tpu.yield
      }) : () -> ()
      "tpu.region"() ({
        %run_scoped3A = tpu.sem_alloc : memref<!tpu.dma_semaphore, #tpu.memory_space<semaphore_mem>>
        %dma_start3A = arith.constant 0 : i32
        %dma_start3A_25 = arith.constant 0 : i32
        %dma_start3A_26 = tpu.memref_slice %arg8[%dma_start3A, %dma_start3A_25] : memref<100352x16xf32, #tpu.memory_space<vmem_shared>> -> memref<100352x16xf32, #tpu.memory_space<vmem_shared>>
        tpu.enqueue_indirect_dma source(%arg7 : memref<1024x16xf32, #tpu.memory_space<vmem>>) target(%dma_start3A_26 : memref<100352x16xf32, #tpu.memory_space<vmem_shared>>) offsets(%arg6 : memref<1024xi32, #tpu.memory_space<vmem>>) semaphore(%run_scoped3A : memref<!tpu.dma_semaphore, #tpu.memory_space<semaphore_mem>>) {add = true}
        %dma_wait3A = arith.constant 0 : i32
        %dma_wait3A_27 = arith.constant 0 : i32
        %dma_wait3A_28 = tpu.memref_slice %arg8[%dma_wait3A, %dma_wait3A_27] : memref<100352x16xf32, #tpu.memory_space<vmem_shared>> -> memref<100352x16xf32, #tpu.memory_space<vmem_shared>>
        tpu.wait_indirect_dma semaphore(%run_scoped3A : memref<!tpu.dma_semaphore, #tpu.memory_space<semaphore_mem>>) src(%arg7 : memref<1024x16xf32, #tpu.memory_space<vmem>>) dst(%dma_wait3A_28 : memref<100352x16xf32, #tpu.memory_space<vmem_shared>>)
        tpu.yield
      }) : () -> ()
    }
    %scan3A_11 = arith.constant 98 : i32
    %barrier3A_12 = arith.constant 0 : index
    tpu.barrier barrier_id(%barrier3A_12)
    %mul3A_13 = arith.constant 100352 : i32
    %mul3A_14 = arith.muli %arg0, %mul3A_13 : i32
    %mul3A_15 = arith.constant 6272 : i32
    %mul3A_16 = arith.muli %arg1, %mul3A_15 : i32
    %add3A_17 = arith.addi %mul3A_14, %mul3A_16 : i32
    %multiple_of3A = tpu.assume_multiple %add3A_17, 8 : i32
    %mul3A_18 = arith.constant 6272 : i32
    %mul3A_19 = arith.muli %arg1, %mul3A_18 : i32
    "tpu.region"() ({
      %run_scoped3A = tpu.sem_alloc : memref<!tpu.dma_semaphore, #tpu.memory_space<semaphore_mem>>
      %dma_start3A = arith.constant 0 : i32
      %dma_start3A_20 = tpu.memref_slice %arg5[%multiple_of3A, %dma_start3A] : memref<200704x16xf32, #tpu.memory_space<hbm>> -> memref<6272x16xf32, #tpu.memory_space<hbm>>
      %dma_start3A_21 = arith.constant 0 : i32
      %dma_start3A_22 = tpu.memref_slice %arg8[%mul3A_19, %dma_start3A_21] : memref<100352x16xf32, #tpu.memory_space<vmem_shared>> -> memref<6272x16xf32, #tpu.memory_space<vmem_shared>>
      tpu.enqueue_dma source(%dma_start3A_22 : memref<6272x16xf32, #tpu.memory_space<vmem_shared>>) target(%dma_start3A_20 : memref<6272x16xf32, #tpu.memory_space<hbm>>) target_semaphore(%run_scoped3A : memref<!tpu.dma_semaphore, #tpu.memory_space<semaphore_mem>>)
      %dma_wait3A = arith.constant 0 : i32
      %dma_wait3A_23 = tpu.memref_slice %arg5[%multiple_of3A, %dma_wait3A] : memref<200704x16xf32, #tpu.memory_space<hbm>> -> memref<6272x16xf32, #tpu.memory_space<hbm>>
      %dma_wait3A_24 = arith.constant 0 : i32
      %dma_wait3A_25 = tpu.memref_slice %arg8[%mul3A_19, %dma_wait3A_24] : memref<100352x16xf32, #tpu.memory_space<vmem_shared>> -> memref<6272x16xf32, #tpu.memory_space<vmem_shared>>
      tpu.wait_dma2 semaphore(%run_scoped3A : memref<!tpu.dma_semaphore, #tpu.memory_space<semaphore_mem>>) src(%dma_wait3A_25 : memref<6272x16xf32, #tpu.memory_space<vmem_shared>>) dst(%dma_wait3A_23 : memref<6272x16xf32, #tpu.memory_space<hbm>>)
      tpu.yield
    }) : () -> ()
    return
  }
}

#map = affine_map<(d0, d1) -> (0, 0)>
#map1 = affine_map<(d0, d1) -> (0)>
module attributes {stable_mosaic.version = 14 : i64} {
  func.func @_sc_gather_body(%arg0: i32, %arg1: i32, %arg2: memref<100352x16xf32, #tpu.memory_space<hbm>>, %arg3: memref<3211264xi32, #tpu.memory_space<hbm>>, %arg4: memref<3211264x16xf32, #tpu.memory_space<hbm>>, %arg5: memref<1024xi32, #tpu.memory_space<vmem>>, %arg6: memref<1024x16xf32, #tpu.memory_space<vmem>>, %arg7: memref<100352x16xf32, #tpu.memory_space<vmem_shared>>) attributes {dimension_semantics = [#tpu.dimension_semantics<core_parallel>, #tpu.dimension_semantics<subcore_parallel>], iteration_bounds = array<i64: 2, 16>, scalar_prefetch = 0 : i64, scratch_operands = 3 : i64, tpu.core_type = #tpu.core_type<sc_vector_subcore>, window_params = [{transform_indices = #map}, {transform_indices = #map1}, {transform_indices = #map}]} {
    %mul3A = arith.constant 16 : i32
    %mul3A_0 = arith.muli %arg0, %mul3A : i32
    %add3A = arith.addi %mul3A_0, %arg1 : i32
    %mul3A_1 = arith.constant 100352 : i32
    %mul3A_2 = arith.muli %add3A, %mul3A_1 : i32
    %mul3A_3 = arith.constant 6272 : i32
    %mul3A_4 = arith.muli %arg1, %mul3A_3 : i32
    %mul3A_5 = arith.constant 6272 : i32
    %mul3A_6 = arith.muli %arg1, %mul3A_5 : i32
    "tpu.region"() ({
      %run_scoped3A = tpu.sem_alloc : memref<!tpu.dma_semaphore, #tpu.memory_space<semaphore_mem>>
      %dma_start3A = arith.constant 0 : i32
      %dma_start3A_12 = tpu.memref_slice %arg7[%mul3A_6, %dma_start3A] : memref<100352x16xf32, #tpu.memory_space<vmem_shared>> -> memref<6272x16xf32, #tpu.memory_space<vmem_shared>>
      %dma_start3A_13 = arith.constant 0 : i32
      %dma_start3A_14 = tpu.memref_slice %arg2[%mul3A_4, %dma_start3A_13] : memref<100352x16xf32, #tpu.memory_space<hbm>> -> memref<6272x16xf32, #tpu.memory_space<hbm>>
      tpu.enqueue_dma source(%dma_start3A_14 : memref<6272x16xf32, #tpu.memory_space<hbm>>) target(%dma_start3A_12 : memref<6272x16xf32, #tpu.memory_space<vmem_shared>>) target_semaphore(%run_scoped3A : memref<!tpu.dma_semaphore, #tpu.memory_space<semaphore_mem>>)
      %dma_wait3A = arith.constant 0 : i32
      %dma_wait3A_15 = tpu.memref_slice %arg7[%mul3A_6, %dma_wait3A] : memref<100352x16xf32, #tpu.memory_space<vmem_shared>> -> memref<6272x16xf32, #tpu.memory_space<vmem_shared>>
      %dma_wait3A_16 = arith.constant 0 : i32
      %dma_wait3A_17 = tpu.memref_slice %arg2[%mul3A_4, %dma_wait3A_16] : memref<100352x16xf32, #tpu.memory_space<hbm>> -> memref<6272x16xf32, #tpu.memory_space<hbm>>
      tpu.wait_dma2 semaphore(%run_scoped3A : memref<!tpu.dma_semaphore, #tpu.memory_space<semaphore_mem>>) src(%dma_wait3A_17 : memref<6272x16xf32, #tpu.memory_space<hbm>>) dst(%dma_wait3A_15 : memref<6272x16xf32, #tpu.memory_space<vmem_shared>>)
      tpu.yield
    }) : () -> ()
    %barrier3A = arith.constant 0 : index
    tpu.barrier barrier_id(%barrier3A)
    %scan3A = arith.constant 0 : i32
    %scan3A_7 = arith.constant 0 : i32
    %scan3A_8 = arith.constant 98 : i32
    %scan3A_9 = arith.addi %scan3A_7, %scan3A_8 : i32
    %scan3A_10 = arith.constant 1 : i32
    scf.for %scan3A_12 = %scan3A_7 to %scan3A_9 step %scan3A_10  : i32 {
      %mul3A_13 = arith.constant 1024 : i32
      %mul3A_14 = arith.muli %scan3A_12, %mul3A_13 : i32
      %add3A_15 = arith.addi %mul3A_2, %mul3A_14 : i32
      %multiple_of3A = tpu.assume_multiple %add3A_15, 1024 : i32
      "tpu.region"() ({
        %run_scoped3A = tpu.sem_alloc : memref<!tpu.dma_semaphore, #tpu.memory_space<semaphore_mem>>
        %dma_start3A = tpu.memref_slice %arg3[%multiple_of3A] : memref<3211264xi32, #tpu.memory_space<hbm>> -> memref<1024xi32, #tpu.memory_space<hbm>>
        %dma_start3A_16 = tpu.memref_slice %arg3[%multiple_of3A] : memref<3211264xi32, #tpu.memory_space<hbm>> -> memref<1024xi32, #tpu.memory_space<hbm>>
        tpu.enqueue_dma source(%dma_start3A_16 : memref<1024xi32, #tpu.memory_space<hbm>>) target(%arg5 : memref<1024xi32, #tpu.memory_space<vmem>>) target_semaphore(%run_scoped3A : memref<!tpu.dma_semaphore, #tpu.memory_space<semaphore_mem>>)
        %dma_wait3A = tpu.memref_slice %arg3[%multiple_of3A] : memref<3211264xi32, #tpu.memory_space<hbm>> -> memref<1024xi32, #tpu.memory_space<hbm>>
        %dma_wait3A_17 = tpu.memref_slice %arg3[%multiple_of3A] : memref<3211264xi32, #tpu.memory_space<hbm>> -> memref<1024xi32, #tpu.memory_space<hbm>>
        tpu.wait_dma2 semaphore(%run_scoped3A : memref<!tpu.dma_semaphore, #tpu.memory_space<semaphore_mem>>) src(%dma_wait3A_17 : memref<1024xi32, #tpu.memory_space<hbm>>) dst(%arg5 : memref<1024xi32, #tpu.memory_space<vmem>>)
        tpu.yield
      }) : () -> ()
      "tpu.region"() ({
        %run_scoped3A = tpu.sem_alloc : memref<!tpu.dma_semaphore, #tpu.memory_space<semaphore_mem>>
        %dma_start3A = arith.constant 0 : i32
        %dma_start3A_16 = arith.constant 0 : i32
        %dma_start3A_17 = tpu.memref_slice %arg7[%dma_start3A, %dma_start3A_16] : memref<100352x16xf32, #tpu.memory_space<vmem_shared>> -> memref<100352x16xf32, #tpu.memory_space<vmem_shared>>
        tpu.enqueue_indirect_dma source(%dma_start3A_17 : memref<100352x16xf32, #tpu.memory_space<vmem_shared>>) target(%arg6 : memref<1024x16xf32, #tpu.memory_space<vmem>>) offsets(%arg5 : memref<1024xi32, #tpu.memory_space<vmem>>) semaphore(%run_scoped3A : memref<!tpu.dma_semaphore, #tpu.memory_space<semaphore_mem>>)
        %dma_wait3A = arith.constant 0 : i32
        %dma_wait3A_18 = arith.constant 0 : i32
        %dma_wait3A_19 = tpu.memref_slice %arg7[%dma_wait3A, %dma_wait3A_18] : memref<100352x16xf32, #tpu.memory_space<vmem_shared>> -> memref<100352x16xf32, #tpu.memory_space<vmem_shared>>
        tpu.wait_indirect_dma semaphore(%run_scoped3A : memref<!tpu.dma_semaphore, #tpu.memory_space<semaphore_mem>>) src(%dma_wait3A_19 : memref<100352x16xf32, #tpu.memory_space<vmem_shared>>) dst(%arg6 : memref<1024x16xf32, #tpu.memory_space<vmem>>)
        tpu.yield
      }) : () -> ()
      "tpu.region"() ({
        %run_scoped3A = tpu.sem_alloc : memref<!tpu.dma_semaphore, #tpu.memory_space<semaphore_mem>>
        %dma_start3A = arith.constant 0 : i32
        %dma_start3A_16 = tpu.memref_slice %arg4[%multiple_of3A, %dma_start3A] : memref<3211264x16xf32, #tpu.memory_space<hbm>> -> memref<1024x16xf32, #tpu.memory_space<hbm>>
        %dma_start3A_17 = arith.constant 0 : i32
        %dma_start3A_18 = tpu.memref_slice %arg4[%multiple_of3A, %dma_start3A_17] : memref<3211264x16xf32, #tpu.memory_space<hbm>> -> memref<1024x16xf32, #tpu.memory_space<hbm>>
        tpu.enqueue_dma source(%arg6 : memref<1024x16xf32, #tpu.memory_space<vmem>>) target(%dma_start3A_18 : memref<1024x16xf32, #tpu.memory_space<hbm>>) target_semaphore(%run_scoped3A : memref<!tpu.dma_semaphore, #tpu.memory_space<semaphore_mem>>)
        %dma_wait3A = arith.constant 0 : i32
        %dma_wait3A_19 = tpu.memref_slice %arg4[%multiple_of3A, %dma_wait3A] : memref<3211264x16xf32, #tpu.memory_space<hbm>> -> memref<1024x16xf32, #tpu.memory_space<hbm>>
        %dma_wait3A_20 = arith.constant 0 : i32
        %dma_wait3A_21 = tpu.memref_slice %arg4[%multiple_of3A, %dma_wait3A_20] : memref<3211264x16xf32, #tpu.memory_space<hbm>> -> memref<1024x16xf32, #tpu.memory_space<hbm>>
        tpu.wait_dma2 semaphore(%run_scoped3A : memref<!tpu.dma_semaphore, #tpu.memory_space<semaphore_mem>>) src(%arg6 : memref<1024x16xf32, #tpu.memory_space<vmem>>) dst(%dma_wait3A_21 : memref<1024x16xf32, #tpu.memory_space<hbm>>)
        tpu.yield
      }) : () -> ()
    }
    %scan3A_11 = arith.constant 98 : i32
    return
  }
}

#map = affine_map<(d0, d1) -> (0, 0)>
#map1 = affine_map<(d0, d1) -> (0)>
module attributes {stable_mosaic.version = 14 : i64} {
  func.func @_sc_scatadd_body(%arg0: i32, %arg1: i32, %arg2: memref<3211264x16xf32, #tpu.memory_space<hbm>>, %arg3: memref<3211264xi32, #tpu.memory_space<hbm>>, %arg4: memref<100352x16xf32, #tpu.memory_space<hbm>>, %arg5: memref<200704x16xf32, #tpu.memory_space<hbm>>, %arg6: memref<1024xi32, #tpu.memory_space<vmem>>, %arg7: memref<1024x16xf32, #tpu.memory_space<vmem>>, %arg8: memref<100352x16xf32, #tpu.memory_space<vmem_shared>>) attributes {dimension_semantics = [#tpu.dimension_semantics<core_parallel>, #tpu.dimension_semantics<subcore_parallel>], iteration_bounds = array<i64: 2, 16>, scalar_prefetch = 0 : i64, scratch_operands = 3 : i64, tpu.core_type = #tpu.core_type<sc_vector_subcore>, window_params = [{transform_indices = #map}, {transform_indices = #map1}, {transform_indices = #map}, {transform_indices = #map}]} {
    %mul3A = arith.constant 16 : i32
    %mul3A_0 = arith.muli %arg0, %mul3A : i32
    %add3A = arith.addi %mul3A_0, %arg1 : i32
    %mul3A_1 = arith.constant 100352 : i32
    %mul3A_2 = arith.muli %add3A, %mul3A_1 : i32
    %mul3A_3 = arith.constant 6272 : i32
    %mul3A_4 = arith.muli %arg1, %mul3A_3 : i32
    %mul3A_5 = arith.constant 6272 : i32
    %mul3A_6 = arith.muli %arg1, %mul3A_5 : i32
    "tpu.region"() ({
      %run_scoped3A = tpu.sem_alloc : memref<!tpu.dma_semaphore, #tpu.memory_space<semaphore_mem>>
      %dma_start3A = arith.constant 0 : i32
      %dma_start3A_20 = tpu.memref_slice %arg8[%mul3A_6, %dma_start3A] : memref<100352x16xf32, #tpu.memory_space<vmem_shared>> -> memref<6272x16xf32, #tpu.memory_space<vmem_shared>>
      %dma_start3A_21 = arith.constant 0 : i32
      %dma_start3A_22 = tpu.memref_slice %arg4[%mul3A_4, %dma_start3A_21] : memref<100352x16xf32, #tpu.memory_space<hbm>> -> memref<6272x16xf32, #tpu.memory_space<hbm>>
      tpu.enqueue_dma source(%dma_start3A_22 : memref<6272x16xf32, #tpu.memory_space<hbm>>) target(%dma_start3A_20 : memref<6272x16xf32, #tpu.memory_space<vmem_shared>>) target_semaphore(%run_scoped3A : memref<!tpu.dma_semaphore, #tpu.memory_space<semaphore_mem>>)
      %dma_wait3A = arith.constant 0 : i32
      %dma_wait3A_23 = tpu.memref_slice %arg8[%mul3A_6, %dma_wait3A] : memref<100352x16xf32, #tpu.memory_space<vmem_shared>> -> memref<6272x16xf32, #tpu.memory_space<vmem_shared>>
      %dma_wait3A_24 = arith.constant 0 : i32
      %dma_wait3A_25 = tpu.memref_slice %arg4[%mul3A_4, %dma_wait3A_24] : memref<100352x16xf32, #tpu.memory_space<hbm>> -> memref<6272x16xf32, #tpu.memory_space<hbm>>
      tpu.wait_dma2 semaphore(%run_scoped3A : memref<!tpu.dma_semaphore, #tpu.memory_space<semaphore_mem>>) src(%dma_wait3A_25 : memref<6272x16xf32, #tpu.memory_space<hbm>>) dst(%dma_wait3A_23 : memref<6272x16xf32, #tpu.memory_space<vmem_shared>>)
      tpu.yield
    }) : () -> ()
    %barrier3A = arith.constant 0 : index
    tpu.barrier barrier_id(%barrier3A)
    %scan3A = arith.constant 0 : i32
    %scan3A_7 = arith.constant 0 : i32
    %scan3A_8 = arith.constant 98 : i32
    %scan3A_9 = arith.addi %scan3A_7, %scan3A_8 : i32
    %scan3A_10 = arith.constant 1 : i32
    scf.for %scan3A_20 = %scan3A_7 to %scan3A_9 step %scan3A_10  : i32 {
      %mul3A_21 = arith.constant 1024 : i32
      %mul3A_22 = arith.muli %scan3A_20, %mul3A_21 : i32
      %add3A_23 = arith.addi %mul3A_2, %mul3A_22 : i32
      %multiple_of3A_24 = tpu.assume_multiple %add3A_23, 1024 : i32
      "tpu.region"() ({
        %run_scoped3A = tpu.sem_alloc : memref<!tpu.dma_semaphore, #tpu.memory_space<semaphore_mem>>
        %dma_start3A = tpu.memref_slice %arg3[%multiple_of3A_24] : memref<3211264xi32, #tpu.memory_space<hbm>> -> memref<1024xi32, #tpu.memory_space<hbm>>
        %dma_start3A_25 = tpu.memref_slice %arg3[%multiple_of3A_24] : memref<3211264xi32, #tpu.memory_space<hbm>> -> memref<1024xi32, #tpu.memory_space<hbm>>
        tpu.enqueue_dma source(%dma_start3A_25 : memref<1024xi32, #tpu.memory_space<hbm>>) target(%arg6 : memref<1024xi32, #tpu.memory_space<vmem>>) target_semaphore(%run_scoped3A : memref<!tpu.dma_semaphore, #tpu.memory_space<semaphore_mem>>)
        %dma_wait3A = tpu.memref_slice %arg3[%multiple_of3A_24] : memref<3211264xi32, #tpu.memory_space<hbm>> -> memref<1024xi32, #tpu.memory_space<hbm>>
        %dma_wait3A_26 = tpu.memref_slice %arg3[%multiple_of3A_24] : memref<3211264xi32, #tpu.memory_space<hbm>> -> memref<1024xi32, #tpu.memory_space<hbm>>
        tpu.wait_dma2 semaphore(%run_scoped3A : memref<!tpu.dma_semaphore, #tpu.memory_space<semaphore_mem>>) src(%dma_wait3A_26 : memref<1024xi32, #tpu.memory_space<hbm>>) dst(%arg6 : memref<1024xi32, #tpu.memory_space<vmem>>)
        tpu.yield
      }) : () -> ()
      "tpu.region"() ({
        %run_scoped3A = tpu.sem_alloc : memref<!tpu.dma_semaphore, #tpu.memory_space<semaphore_mem>>
        %dma_start3A = arith.constant 0 : i32
        %dma_start3A_25 = tpu.memref_slice %arg2[%multiple_of3A_24, %dma_start3A] : memref<3211264x16xf32, #tpu.memory_space<hbm>> -> memref<1024x16xf32, #tpu.memory_space<hbm>>
        %dma_start3A_26 = arith.constant 0 : i32
        %dma_start3A_27 = tpu.memref_slice %arg2[%multiple_of3A_24, %dma_start3A_26] : memref<3211264x16xf32, #tpu.memory_space<hbm>> -> memref<1024x16xf32, #tpu.memory_space<hbm>>
        tpu.enqueue_dma source(%dma_start3A_27 : memref<1024x16xf32, #tpu.memory_space<hbm>>) target(%arg7 : memref<1024x16xf32, #tpu.memory_space<vmem>>) target_semaphore(%run_scoped3A : memref<!tpu.dma_semaphore, #tpu.memory_space<semaphore_mem>>)
        %dma_wait3A = arith.constant 0 : i32
        %dma_wait3A_28 = tpu.memref_slice %arg2[%multiple_of3A_24, %dma_wait3A] : memref<3211264x16xf32, #tpu.memory_space<hbm>> -> memref<1024x16xf32, #tpu.memory_space<hbm>>
        %dma_wait3A_29 = arith.constant 0 : i32
        %dma_wait3A_30 = tpu.memref_slice %arg2[%multiple_of3A_24, %dma_wait3A_29] : memref<3211264x16xf32, #tpu.memory_space<hbm>> -> memref<1024x16xf32, #tpu.memory_space<hbm>>
        tpu.wait_dma2 semaphore(%run_scoped3A : memref<!tpu.dma_semaphore, #tpu.memory_space<semaphore_mem>>) src(%dma_wait3A_30 : memref<1024x16xf32, #tpu.memory_space<hbm>>) dst(%arg7 : memref<1024x16xf32, #tpu.memory_space<vmem>>)
        tpu.yield
      }) : () -> ()
      "tpu.region"() ({
        %run_scoped3A = tpu.sem_alloc : memref<!tpu.dma_semaphore, #tpu.memory_space<semaphore_mem>>
        %dma_start3A = arith.constant 0 : i32
        %dma_start3A_25 = arith.constant 0 : i32
        %dma_start3A_26 = tpu.memref_slice %arg8[%dma_start3A, %dma_start3A_25] : memref<100352x16xf32, #tpu.memory_space<vmem_shared>> -> memref<100352x16xf32, #tpu.memory_space<vmem_shared>>
        tpu.enqueue_indirect_dma source(%arg7 : memref<1024x16xf32, #tpu.memory_space<vmem>>) target(%dma_start3A_26 : memref<100352x16xf32, #tpu.memory_space<vmem_shared>>) offsets(%arg6 : memref<1024xi32, #tpu.memory_space<vmem>>) semaphore(%run_scoped3A : memref<!tpu.dma_semaphore, #tpu.memory_space<semaphore_mem>>) {add = true}
        %dma_wait3A = arith.constant 0 : i32
        %dma_wait3A_27 = arith.constant 0 : i32
        %dma_wait3A_28 = tpu.memref_slice %arg8[%dma_wait3A, %dma_wait3A_27] : memref<100352x16xf32, #tpu.memory_space<vmem_shared>> -> memref<100352x16xf32, #tpu.memory_space<vmem_shared>>
        tpu.wait_indirect_dma semaphore(%run_scoped3A : memref<!tpu.dma_semaphore, #tpu.memory_space<semaphore_mem>>) src(%arg7 : memref<1024x16xf32, #tpu.memory_space<vmem>>) dst(%dma_wait3A_28 : memref<100352x16xf32, #tpu.memory_space<vmem_shared>>)
        tpu.yield
      }) : () -> ()
    }
    %scan3A_11 = arith.constant 98 : i32
    %barrier3A_12 = arith.constant 0 : index
    tpu.barrier barrier_id(%barrier3A_12)
    %mul3A_13 = arith.constant 100352 : i32
    %mul3A_14 = arith.muli %arg0, %mul3A_13 : i32
    %mul3A_15 = arith.constant 6272 : i32
    %mul3A_16 = arith.muli %arg1, %mul3A_15 : i32
    %add3A_17 = arith.addi %mul3A_14, %mul3A_16 : i32
    %multiple_of3A = tpu.assume_multiple %add3A_17, 8 : i32
    %mul3A_18 = arith.constant 6272 : i32
    %mul3A_19 = arith.muli %arg1, %mul3A_18 : i32
    "tpu.region"() ({
      %run_scoped3A = tpu.sem_alloc : memref<!tpu.dma_semaphore, #tpu.memory_space<semaphore_mem>>
      %dma_start3A = arith.constant 0 : i32
      %dma_start3A_20 = tpu.memref_slice %arg5[%multiple_of3A, %dma_start3A] : memref<200704x16xf32, #tpu.memory_space<hbm>> -> memref<6272x16xf32, #tpu.memory_space<hbm>>
      %dma_start3A_21 = arith.constant 0 : i32
      %dma_start3A_22 = tpu.memref_slice %arg8[%mul3A_19, %dma_start3A_21] : memref<100352x16xf32, #tpu.memory_space<vmem_shared>> -> memref<6272x16xf32, #tpu.memory_space<vmem_shared>>
      tpu.enqueue_dma source(%dma_start3A_22 : memref<6272x16xf32, #tpu.memory_space<vmem_shared>>) target(%dma_start3A_20 : memref<6272x16xf32, #tpu.memory_space<hbm>>) target_semaphore(%run_scoped3A : memref<!tpu.dma_semaphore, #tpu.memory_space<semaphore_mem>>)
      %dma_wait3A = arith.constant 0 : i32
      %dma_wait3A_23 = tpu.memref_slice %arg5[%multiple_of3A, %dma_wait3A] : memref<200704x16xf32, #tpu.memory_space<hbm>> -> memref<6272x16xf32, #tpu.memory_space<hbm>>
      %dma_wait3A_24 = arith.constant 0 : i32
      %dma_wait3A_25 = tpu.memref_slice %arg8[%mul3A_19, %dma_wait3A_24] : memref<100352x16xf32, #tpu.memory_space<vmem_shared>> -> memref<6272x16xf32, #tpu.memory_space<vmem_shared>>
      tpu.wait_dma2 semaphore(%run_scoped3A : memref<!tpu.dma_semaphore, #tpu.memory_space<semaphore_mem>>) src(%dma_wait3A_25 : memref<6272x16xf32, #tpu.memory_space<vmem_shared>>) dst(%dma_wait3A_23 : memref<6272x16xf32, #tpu.memory_space<hbm>>)
      tpu.yield
    }) : () -> ()
    return
  }
}

module attributes {stable_mosaic.version = 14 : i64} {
  func.func @_edge_mlp_body(%arg0: i32, %arg1: memref<2048x128xf32, #tpu.memory_space<vmem>>, %arg2: memref<2048x128xf32, #tpu.memory_space<vmem>>, %arg3: memref<4x128x128xf32, #tpu.memory_space<vmem>>, %arg4: memref<8x128xf32, #tpu.memory_space<vmem>>, %arg5: memref<2048x128xf32, #tpu.memory_space<vmem>>) attributes {dimension_semantics = [#tpu.dimension_semantics<arbitrary>], iteration_bounds = array<i64: 196>, scalar_prefetch = 0 : i64, scratch_operands = 0 : i64, tpu.core_type = #tpu.core_type<tc>, window_params = [{transform_indices = @transform_0, window_bounds = array<i64: 2048, 128>}, {transform_indices = @transform_1, window_bounds = array<i64: 2048, 128>}, {pipeline_mode = #tpu.pipeline_mode<synchronous>, transform_indices = @transform_2, window_bounds = array<i64: 4, 128, 128>}, {pipeline_mode = #tpu.pipeline_mode<synchronous>, transform_indices = @transform_3, window_bounds = array<i64: 8, 128>}, {transform_indices = @transform_4, window_bounds = array<i64: 2048, 128>}]} {
    %get3A = arith.constant 0 : index
    %get3A_0 = arith.constant 0 : index
    %get3A_1 = vector.load %arg1[%get3A, %get3A_0] : memref<2048x128xf32, #tpu.memory_space<vmem>>, vector<2048x128xf32>
    %get3A_2 = arith.constant 0 : index
    %get3A_3 = arith.constant 0 : index
    %get3A_4 = vector.load %arg2[%get3A_2, %get3A_3] : memref<2048x128xf32, #tpu.memory_space<vmem>>, vector<2048x128xf32>
    %get3A_5 = arith.constant 0 : index
    %get3A_6 = arith.constant 0 : index
    %get3A_7 = arith.constant 0 : index
    %get3A_8 = vector.load %arg3[%get3A_5, %get3A_6, %get3A_7] : memref<4x128x128xf32, #tpu.memory_space<vmem>>, vector<4x128x128xf32>
    %get3A_9 = arith.constant 0 : index
    %get3A_10 = arith.constant 0 : index
    %get3A_11 = vector.load %arg4[%get3A_9, %get3A_10] : memref<8x128xf32, #tpu.memory_space<vmem>>, vector<8x128xf32>
    %sub3A = arith.subf %get3A_1, %get3A_4 : vector<2048x128xf32>
    %mul3A = arith.mulf %sub3A, %sub3A : vector<2048x128xf32>
    %slice3A = vector.extract_strided_slice %get3A_11 {offsets = [0, 0], sizes = [1, 128], strides = [1, 1]} : vector<8x128xf32> to vector<1x128xf32>
    %squeeze3A = vector.shape_cast %slice3A : vector<1x128xf32> to vector<128xf32>
    %broadcast_in_dim3A = vector.shape_cast %squeeze3A : vector<128xf32> to vector<1x128xf32>
    %mul3A_12 = vector.broadcast %broadcast_in_dim3A : vector<1x128xf32> to vector<2048x128xf32>
    %mul3A_13 = arith.mulf %mul3A, %mul3A_12 : vector<2048x128xf32>
    %slice3A_14 = vector.extract_strided_slice %get3A_8 {offsets = [2, 0, 0], sizes = [1, 128, 128], strides = [1, 1, 1]} : vector<4x128x128xf32> to vector<1x128x128xf32>
    %squeeze3A_15 = vector.shape_cast %slice3A_14 : vector<1x128x128xf32> to vector<128x128xf32>
    %dot_general3A = arith.constant dense<0.000000e+00> : vector<2048x128xf32>
    %dot_general3A_16 = tpu.matmul %mul3A_13, %squeeze3A_15, %dot_general3A {dimension_numbers = #tpu.dot_dimension_numbers<[1], [0], [0], [1], [0, 0, 1, 1], [], []>, transpose_lhs_hint = false} : vector<2048x128xf32>, vector<128x128xf32>, vector<2048x128xf32> -> vector<2048x128xf32>
    %slice3A_17 = vector.extract_strided_slice %get3A_8 {offsets = [0, 0, 0], sizes = [1, 128, 128], strides = [1, 1, 1]} : vector<4x128x128xf32> to vector<1x128x128xf32>
    %squeeze3A_18 = vector.shape_cast %slice3A_17 : vector<1x128x128xf32> to vector<128x128xf32>
    %dot_general3A_19 = arith.constant dense<0.000000e+00> : vector<2048x128xf32>
    %dot_general3A_20 = tpu.matmul %get3A_1, %squeeze3A_18, %dot_general3A_19 {dimension_numbers = #tpu.dot_dimension_numbers<[1], [0], [0], [1], [0, 0, 1, 1], [], []>, transpose_lhs_hint = false} : vector<2048x128xf32>, vector<128x128xf32>, vector<2048x128xf32> -> vector<2048x128xf32>
    %slice3A_21 = vector.extract_strided_slice %get3A_8 {offsets = [1, 0, 0], sizes = [1, 128, 128], strides = [1, 1, 1]} : vector<4x128x128xf32> to vector<1x128x128xf32>
    %squeeze3A_22 = vector.shape_cast %slice3A_21 : vector<1x128x128xf32> to vector<128x128xf32>
    %dot_general3A_23 = arith.constant dense<0.000000e+00> : vector<2048x128xf32>
    %dot_general3A_24 = tpu.matmul %get3A_4, %squeeze3A_22, %dot_general3A_23 {dimension_numbers = #tpu.dot_dimension_numbers<[1], [0], [0], [1], [0, 0, 1, 1], [], []>, transpose_lhs_hint = false} : vector<2048x128xf32>, vector<128x128xf32>, vector<2048x128xf32> -> vector<2048x128xf32>
    %add3A = arith.addf %dot_general3A_20, %dot_general3A_24 : vector<2048x128xf32>
    %slice3A_25 = vector.extract_strided_slice %get3A_11 {offsets = [1, 0], sizes = [1, 128], strides = [1, 1]} : vector<8x128xf32> to vector<1x128xf32>
    %squeeze3A_26 = vector.shape_cast %slice3A_25 : vector<1x128xf32> to vector<128xf32>
    %broadcast_in_dim3A_27 = vector.shape_cast %squeeze3A_26 : vector<128xf32> to vector<1x128xf32>
    %mul3A_28 = vector.broadcast %broadcast_in_dim3A_27 : vector<1x128xf32> to vector<2048x128xf32>
    %mul3A_29 = arith.mulf %dot_general3A_16, %mul3A_28 : vector<2048x128xf32>
    %add3A_30 = arith.addf %add3A, %mul3A_29 : vector<2048x128xf32>
    %slice3A_31 = vector.extract_strided_slice %get3A_11 {offsets = [2, 0], sizes = [1, 128], strides = [1, 1]} : vector<8x128xf32> to vector<1x128xf32>
    %squeeze3A_32 = vector.shape_cast %slice3A_31 : vector<1x128xf32> to vector<128xf32>
    %broadcast_in_dim3A_33 = vector.shape_cast %squeeze3A_32 : vector<128xf32> to vector<1x128xf32>
    %add3A_34 = vector.broadcast %broadcast_in_dim3A_33 : vector<1x128xf32> to vector<2048x128xf32>
    %add3A_35 = arith.addf %add3A_30, %add3A_34 : vector<2048x128xf32>
    %logistic3A = arith.negf %add3A_35 : vector<2048x128xf32>
    %logistic3A_36 = math.exp %logistic3A : vector<2048x128xf32>
    %logistic3A_37 = arith.constant 1.000000e+00 : f32
    %logistic3A_38 = vector.broadcast %logistic3A_37 : f32 to vector<2048x128xf32>
    %logistic3A_39 = arith.addf %logistic3A_38, %logistic3A_36 : vector<2048x128xf32>
    %logistic3A_40 = arith.divf %logistic3A_38, %logistic3A_39 : vector<2048x128xf32>
    %mul3A_41 = arith.mulf %add3A_35, %logistic3A_40 : vector<2048x128xf32>
    %slice3A_42 = vector.extract_strided_slice %get3A_8 {offsets = [3, 0, 0], sizes = [1, 128, 128], strides = [1, 1, 1]} : vector<4x128x128xf32> to vector<1x128x128xf32>
    %squeeze3A_43 = vector.shape_cast %slice3A_42 : vector<1x128x128xf32> to vector<128x128xf32>
    %dot_general3A_44 = arith.constant dense<0.000000e+00> : vector<2048x128xf32>
    %dot_general3A_45 = tpu.matmul %mul3A_41, %squeeze3A_43, %dot_general3A_44 {dimension_numbers = #tpu.dot_dimension_numbers<[1], [0], [0], [1], [0, 0, 1, 1], [], []>, transpose_lhs_hint = false} : vector<2048x128xf32>, vector<128x128xf32>, vector<2048x128xf32> -> vector<2048x128xf32>
    %slice3A_46 = vector.extract_strided_slice %get3A_11 {offsets = [3, 0], sizes = [1, 128], strides = [1, 1]} : vector<8x128xf32> to vector<1x128xf32>
    %squeeze3A_47 = vector.shape_cast %slice3A_46 : vector<1x128xf32> to vector<128xf32>
    %broadcast_in_dim3A_48 = vector.shape_cast %squeeze3A_47 : vector<128xf32> to vector<1x128xf32>
    %add3A_49 = vector.broadcast %broadcast_in_dim3A_48 : vector<1x128xf32> to vector<2048x128xf32>
    %add3A_50 = arith.addf %dot_general3A_45, %add3A_49 : vector<2048x128xf32>
    %logistic3A_51 = arith.negf %add3A_50 : vector<2048x128xf32>
    %logistic3A_52 = math.exp %logistic3A_51 : vector<2048x128xf32>
    %logistic3A_53 = arith.constant 1.000000e+00 : f32
    %logistic3A_54 = vector.broadcast %logistic3A_53 : f32 to vector<2048x128xf32>
    %logistic3A_55 = arith.addf %logistic3A_54, %logistic3A_52 : vector<2048x128xf32>
    %logistic3A_56 = arith.divf %logistic3A_54, %logistic3A_55 : vector<2048x128xf32>
    %mul3A_57 = arith.mulf %add3A_50, %logistic3A_56 : vector<2048x128xf32>
    %swap3A = arith.constant 0 : index
    %swap3A_58 = arith.constant 0 : index
    %swap3A_59 = vector.load %arg5[%swap3A, %swap3A_58] : memref<2048x128xf32, #tpu.memory_space<vmem>>, vector<2048x128xf32>
    tpu.vector_store %arg5[%swap3A, %swap3A_58], %mul3A_57 {strides = array<i32>} : memref<2048x128xf32, #tpu.memory_space<vmem>>, vector<2048x128xf32>,
    return
  }
  func.func @transform_0(%arg0: i32) -> (i32, i32) {
    %c0_i32 = arith.constant 0 : i32
    %c0_i32_0 = arith.constant 0 : i32
    return %arg0, %c0_i32 : i32, i32
  }
  func.func @transform_1(%arg0: i32) -> (i32, i32) {
    %c0_i32 = arith.constant 0 : i32
    %c0_i32_0 = arith.constant 0 : i32
    return %arg0, %c0_i32 : i32, i32
  }
  func.func @transform_2(%arg0: i32) -> (i32, i32, i32) {
    %c0_i32 = arith.constant 0 : i32
    %c0_i32_0 = arith.constant 0 : i32
    %c0_i32_1 = arith.constant 0 : i32
    %c0_i32_2 = arith.constant 0 : i32
    return %c0_i32, %c0_i32_0, %c0_i32_1 : i32, i32, i32
  }
  func.func @transform_3(%arg0: i32) -> (i32, i32) {
    %c0_i32 = arith.constant 0 : i32
    %c0_i32_0 = arith.constant 0 : i32
    %c0_i32_1 = arith.constant 0 : i32
    return %c0_i32, %c0_i32_0 : i32, i32
  }
  func.func @transform_4(%arg0: i32) -> (i32, i32) {
    %c0_i32 = arith.constant 0 : i32
    %c0_i32_0 = arith.constant 0 : i32
    return %arg0, %c0_i32 : i32, i32
  }
}

module attributes {stable_mosaic.version = 14 : i64} {
  func.func @_node_body(%arg0: i32, %arg1: memref<1024x1xf32, #tpu.memory_space<vmem>>, %arg2: memref<1024x16xf32, #tpu.memory_space<vmem>>, %arg3: memref<1024x16xf32, #tpu.memory_space<vmem>>, %arg4: memref<8x16xf32, #tpu.memory_space<vmem>>, %arg5: memref<4x16x16xf32, #tpu.memory_space<vmem>>, %arg6: memref<1024x16xf32, #tpu.memory_space<vmem>>) attributes {dimension_semantics = [#tpu.dimension_semantics<arbitrary>], iteration_bounds = array<i64: 98>, scalar_prefetch = 0 : i64, scratch_operands = 0 : i64, tpu.core_type = #tpu.core_type<tc>, window_params = [{transform_indices = @transform_0, window_bounds = array<i64: 1024, 1>}, {transform_indices = @transform_1, window_bounds = array<i64: 1024, 16>}, {transform_indices = @transform_2, window_bounds = array<i64: 1024, 16>}, {pipeline_mode = #tpu.pipeline_mode<synchronous>, transform_indices = @transform_3, window_bounds = array<i64: 8, 16>}, {pipeline_mode = #tpu.pipeline_mode<synchronous>, transform_indices = @transform_4, window_bounds = array<i64: 4, 16, 16>}, {transform_indices = @transform_5, window_bounds = array<i64: 1024, 16>}]} {
    %get3A = arith.constant 0 : index
    %get3A_0 = arith.constant 0 : index
    %get3A_1 = vector.load %arg1[%get3A, %get3A_0] : memref<1024x1xf32, #tpu.memory_space<vmem>>, vector<1024x1xf32>
    %get3A_2 = arith.constant 0 : index
    %get3A_3 = arith.constant 0 : index
    %get3A_4 = vector.load %arg2[%get3A_2, %get3A_3] : memref<1024x16xf32, #tpu.memory_space<vmem>>, vector<1024x16xf32>
    %get3A_5 = arith.constant 0 : index
    %get3A_6 = arith.constant 0 : index
    %get3A_7 = vector.load %arg3[%get3A_5, %get3A_6] : memref<1024x16xf32, #tpu.memory_space<vmem>>, vector<1024x16xf32>
    %add3A = arith.addf %get3A_4, %get3A_7 : vector<1024x16xf32>
    %get3A_8 = arith.constant 0 : index
    %get3A_9 = arith.constant 0 : index
    %get3A_10 = vector.load %arg4[%get3A_8, %get3A_9] : memref<8x16xf32, #tpu.memory_space<vmem>>, vector<8x16xf32>
    %slice3A = vector.extract_strided_slice %get3A_10 {offsets = [0, 0], sizes = [1, 16], strides = [1, 1]} : vector<8x16xf32> to vector<1x16xf32>
    %squeeze3A = vector.shape_cast %slice3A : vector<1x16xf32> to vector<16xf32>
    %slice3A_11 = vector.extract_strided_slice %get3A_10 {offsets = [1, 0], sizes = [1, 16], strides = [1, 1]} : vector<8x16xf32> to vector<1x16xf32>
    %squeeze3A_12 = vector.shape_cast %slice3A_11 : vector<1x16xf32> to vector<16xf32>
    %slice3A_13 = vector.extract_strided_slice %get3A_10 {offsets = [2, 0], sizes = [1, 16], strides = [1, 1]} : vector<8x16xf32> to vector<1x16xf32>
    %squeeze3A_14 = vector.shape_cast %slice3A_13 : vector<1x16xf32> to vector<16xf32>
    %slice3A_15 = vector.extract_strided_slice %get3A_10 {offsets = [3, 0], sizes = [1, 16], strides = [1, 1]} : vector<8x16xf32> to vector<1x16xf32>
    %squeeze3A_16 = vector.shape_cast %slice3A_15 : vector<1x16xf32> to vector<16xf32>
    %slice3A_17 = vector.extract_strided_slice %get3A_10 {offsets = [4, 0], sizes = [1, 16], strides = [1, 1]} : vector<8x16xf32> to vector<1x16xf32>
    %squeeze3A_18 = vector.shape_cast %slice3A_17 : vector<1x16xf32> to vector<16xf32>
    %get3A_19 = arith.constant 0 : index
    %get3A_20 = arith.constant 0 : index
    %get3A_21 = arith.constant 0 : index
    %get3A_22 = vector.load %arg5[%get3A_19, %get3A_20, %get3A_21] : memref<4x16x16xf32, #tpu.memory_space<vmem>>, vector<4x16x16xf32>
    %slice3A_23 = vector.extract_strided_slice %get3A_22 {offsets = [0, 0, 0], sizes = [1, 16, 16], strides = [1, 1, 1]} : vector<4x16x16xf32> to vector<1x16x16xf32>
    %squeeze3A_24 = vector.shape_cast %slice3A_23 : vector<1x16x16xf32> to vector<16x16xf32>
    %slice3A_25 = vector.extract_strided_slice %get3A_22 {offsets = [1, 0, 0], sizes = [1, 16, 16], strides = [1, 1, 1]} : vector<4x16x16xf32> to vector<1x16x16xf32>
    %squeeze3A_26 = vector.shape_cast %slice3A_25 : vector<1x16x16xf32> to vector<16x16xf32>
    %slice3A_27 = vector.extract_strided_slice %get3A_22 {offsets = [2, 0, 0], sizes = [1, 16, 16], strides = [1, 1, 1]} : vector<4x16x16xf32> to vector<1x16x16xf32>
    %squeeze3A_28 = vector.shape_cast %slice3A_27 : vector<1x16x16xf32> to vector<16x16xf32>
    %slice3A_29 = vector.extract_strided_slice %get3A_22 {offsets = [3, 0, 0], sizes = [1, 16, 16], strides = [1, 1, 1]} : vector<4x16x16xf32> to vector<1x16x16xf32>
    %squeeze3A_30 = vector.shape_cast %slice3A_29 : vector<1x16x16xf32> to vector<16x16xf32>
    %broadcast_in_dim3A = vector.shape_cast %squeeze3A : vector<16xf32> to vector<1x16xf32>
    %mul3A = vector.broadcast %get3A_1 : vector<1024x1xf32> to vector<1024x16xf32>
    %mul3A_31 = vector.broadcast %broadcast_in_dim3A : vector<1x16xf32> to vector<1024x16xf32>
    %mul3A_32 = arith.mulf %mul3A, %mul3A_31 : vector<1024x16xf32>
    %broadcast_in_dim3A_33 = vector.shape_cast %squeeze3A_12 : vector<16xf32> to vector<1x16xf32>
    %add3A_34 = vector.broadcast %broadcast_in_dim3A_33 : vector<1x16xf32> to vector<1024x16xf32>
    %add3A_35 = arith.addf %mul3A_32, %add3A_34 : vector<1024x16xf32>
    %dot_general3A = arith.constant dense<0.000000e+00> : vector<1024x16xf32>
    %dot_general3A_36 = tpu.matmul %add3A_35, %squeeze3A_24, %dot_general3A {dimension_numbers = #tpu.dot_dimension_numbers<[1], [0], [0], [1], [0, 0, 1, 1], [], []>, transpose_lhs_hint = false} : vector<1024x16xf32>, vector<16x16xf32>, vector<1024x16xf32> -> vector<1024x16xf32>
    %dot_general3A_37 = arith.constant dense<0.000000e+00> : vector<1024x16xf32>
    %dot_general3A_38 = tpu.matmul %add3A, %squeeze3A_26, %dot_general3A_37 {dimension_numbers = #tpu.dot_dimension_numbers<[1], [0], [0], [1], [0, 0, 1, 1], [], []>, transpose_lhs_hint = false} : vector<1024x16xf32>, vector<16x16xf32>, vector<1024x16xf32> -> vector<1024x16xf32>
    %add3A_39 = arith.addf %dot_general3A_36, %dot_general3A_38 : vector<1024x16xf32>
    %broadcast_in_dim3A_40 = vector.shape_cast %squeeze3A_14 : vector<16xf32> to vector<1x16xf32>
    %add3A_41 = vector.broadcast %broadcast_in_dim3A_40 : vector<1x16xf32> to vector<1024x16xf32>
    %add3A_42 = arith.addf %add3A_39, %add3A_41 : vector<1024x16xf32>
    %logistic3A = arith.negf %add3A_42 : vector<1024x16xf32>
    %logistic3A_43 = math.exp %logistic3A : vector<1024x16xf32>
    %logistic3A_44 = arith.constant 1.000000e+00 : f32
    %logistic3A_45 = vector.broadcast %logistic3A_44 : f32 to vector<1024x16xf32>
    %logistic3A_46 = arith.addf %logistic3A_45, %logistic3A_43 : vector<1024x16xf32>
    %logistic3A_47 = arith.divf %logistic3A_45, %logistic3A_46 : vector<1024x16xf32>
    %mul3A_48 = arith.mulf %add3A_42, %logistic3A_47 : vector<1024x16xf32>
    %dot_general3A_49 = arith.constant dense<0.000000e+00> : vector<1024x16xf32>
    %dot_general3A_50 = tpu.matmul %mul3A_48, %squeeze3A_28, %dot_general3A_49 {dimension_numbers = #tpu.dot_dimension_numbers<[1], [0], [0], [1], [0, 0, 1, 1], [], []>, transpose_lhs_hint = false} : vector<1024x16xf32>, vector<16x16xf32>, vector<1024x16xf32> -> vector<1024x16xf32>
    %add3A_51 = arith.addf %add3A_35, %dot_general3A_50 : vector<1024x16xf32>
    %broadcast_in_dim3A_52 = vector.shape_cast %squeeze3A_16 : vector<16xf32> to vector<1x16xf32>
    %add3A_53 = vector.broadcast %broadcast_in_dim3A_52 : vector<1x16xf32> to vector<1024x16xf32>
    %add3A_54 = arith.addf %add3A_51, %add3A_53 : vector<1024x16xf32>
    %dot_general3A_55 = arith.constant dense<0.000000e+00> : vector<1024x16xf32>
    %dot_general3A_56 = tpu.matmul %add3A_54, %squeeze3A_30, %dot_general3A_55 {dimension_numbers = #tpu.dot_dimension_numbers<[1], [0], [0], [1], [0, 0, 1, 1], [], []>, transpose_lhs_hint = false} : vector<1024x16xf32>, vector<16x16xf32>, vector<1024x16xf32> -> vector<1024x16xf32>
    %broadcast_in_dim3A_57 = vector.shape_cast %squeeze3A_18 : vector<16xf32> to vector<1x16xf32>
    %add3A_58 = vector.broadcast %broadcast_in_dim3A_57 : vector<1x16xf32> to vector<1024x16xf32>
    %add3A_59 = arith.addf %dot_general3A_56, %add3A_58 : vector<1024x16xf32>
    %swap3A = arith.constant 0 : index
    %swap3A_60 = arith.constant 0 : index
    %swap3A_61 = vector.load %arg6[%swap3A, %swap3A_60] : memref<1024x16xf32, #tpu.memory_space<vmem>>, vector<1024x16xf32>
    tpu.vector_store %arg6[%swap3A, %swap3A_60], %add3A_59 {strides = array<i32>} : memref<1024x16xf32, #tpu.memory_space<vmem>>, vector<1024x16xf32>,
    return
  }
  func.func @transform_0(%arg0: i32) -> (i32, i32) {
    %c0_i32 = arith.constant 0 : i32
    %c0_i32_0 = arith.constant 0 : i32
    return %arg0, %c0_i32 : i32, i32
  }
  func.func @transform_1(%arg0: i32) -> (i32, i32) {
    %c0_i32 = arith.constant 0 : i32
    %c0_i32_0 = arith.constant 0 : i32
    return %arg0, %c0_i32 : i32, i32
  }
  func.func @transform_2(%arg0: i32) -> (i32, i32) {
    %c0_i32 = arith.constant 0 : i32
    %c0_i32_0 = arith.constant 0 : i32
    return %arg0, %c0_i32 : i32, i32
  }
  func.func @transform_3(%arg0: i32) -> (i32, i32) {
    %c0_i32 = arith.constant 0 : i32
    %c0_i32_0 = arith.constant 0 : i32
    %c0_i32_1 = arith.constant 0 : i32
    return %c0_i32, %c0_i32_0 : i32, i32
  }
  func.func @transform_4(%arg0: i32) -> (i32, i32, i32) {
    %c0_i32 = arith.constant 0 : i32
    %c0_i32_0 = arith.constant 0 : i32
    %c0_i32_1 = arith.constant 0 : i32
    %c0_i32_2 = arith.constant 0 : i32
    return %c0_i32, %c0_i32_0, %c0_i32_1 : i32, i32, i32
  }
  func.func @transform_5(%arg0: i32) -> (i32, i32) {
    %c0_i32 = arith.constant 0 : i32
    %c0_i32_0 = arith.constant 0 : i32
    return %arg0, %c0_i32 : i32, i32
  }
}

module attributes {stable_mosaic.version = 14 : i64} {
  func.func @_z1_body(%arg0: i32, %arg1: memref<1024x16xf32, #tpu.memory_space<vmem>>, %arg2: memref<1024x16xf32, #tpu.memory_space<vmem>>, %arg3: memref<1024x16xf32, #tpu.memory_space<vmem>>, %arg4: memref<16x16xf32, #tpu.memory_space<vmem>>, %arg5: memref<1x16xf32, #tpu.memory_space<vmem>>, %arg6: memref<1024x16xf32, #tpu.memory_space<vmem>>, %arg7: memref<8x16xf32, #tpu.memory_space<vmem>>, %arg8: memref<8x16xf32, #tpu.memory_space<vmem>>) attributes {dimension_semantics = [#tpu.dimension_semantics<arbitrary>], iteration_bounds = array<i64: 98>, scalar_prefetch = 0 : i64, scratch_operands = 1 : i64, tpu.core_type = #tpu.core_type<tc>, window_params = [{transform_indices = @transform_0, window_bounds = array<i64: 1024, 16>}, {transform_indices = @transform_1, window_bounds = array<i64: 1024, 16>}, {transform_indices = @transform_2, window_bounds = array<i64: 1024, 16>}, {pipeline_mode = #tpu.pipeline_mode<synchronous>, transform_indices = @transform_3, window_bounds = array<i64: 16, 16>}, {pipeline_mode = #tpu.pipeline_mode<synchronous>, transform_indices = @transform_4, window_bounds = array<i64: 1, 16>}, {transform_indices = @transform_5, window_bounds = array<i64: 1024, 16>}, {pipeline_mode = #tpu.pipeline_mode<synchronous>, transform_indices = @transform_6, window_bounds = array<i64: 8, 16>}]} {
    %get3A = arith.constant 0 : index
    %get3A_0 = arith.constant 0 : index
    %get3A_1 = vector.load %arg1[%get3A, %get3A_0] : memref<1024x16xf32, #tpu.memory_space<vmem>>, vector<1024x16xf32>
    %get3A_2 = arith.constant 0 : index
    %get3A_3 = arith.constant 0 : index
    %get3A_4 = vector.load %arg2[%get3A_2, %get3A_3] : memref<1024x16xf32, #tpu.memory_space<vmem>>, vector<1024x16xf32>
    %add3A = arith.addf %get3A_1, %get3A_4 : vector<1024x16xf32>
    %get3A_5 = arith.constant 0 : index
    %get3A_6 = arith.constant 0 : index
    %get3A_7 = vector.load %arg3[%get3A_5, %get3A_6] : memref<1024x16xf32, #tpu.memory_space<vmem>>, vector<1024x16xf32>
    %add3A_8 = arith.addf %add3A, %get3A_7 : vector<1024x16xf32>
    %get3A_9 = arith.constant 0 : index
    %get3A_10 = arith.constant 0 : index
    %get3A_11 = vector.load %arg4[%get3A_9, %get3A_10] : memref<16x16xf32, #tpu.memory_space<vmem>>, vector<16x16xf32>
    %dot_general3A = arith.constant dense<0.000000e+00> : vector<1024x16xf32>
    %dot_general3A_12 = tpu.matmul %add3A_8, %get3A_11, %dot_general3A {dimension_numbers = #tpu.dot_dimension_numbers<[1], [0], [0], [1], [0, 0, 1, 1], [], []>, transpose_lhs_hint = false} : vector<1024x16xf32>, vector<16x16xf32>, vector<1024x16xf32> -> vector<1024x16xf32>
    %get3A_13 = arith.constant 0 : index
    %get3A_14 = arith.constant 0 : index
    %get3A_15 = vector.load %arg5[%get3A_13, %get3A_14] : memref<1x16xf32, #tpu.memory_space<vmem>>, vector<1x16xf32>
    %squeeze3A = vector.shape_cast %get3A_15 : vector<1x16xf32> to vector<16xf32>
    %broadcast_in_dim3A = vector.shape_cast %squeeze3A : vector<16xf32> to vector<1x16xf32>
    %add3A_16 = vector.broadcast %broadcast_in_dim3A : vector<1x16xf32> to vector<1024x16xf32>
    %add3A_17 = arith.addf %dot_general3A_12, %add3A_16 : vector<1024x16xf32>
    %swap3A = arith.constant 0 : index
    %swap3A_18 = arith.constant 0 : index
    %swap3A_19 = vector.load %arg6[%swap3A, %swap3A_18] : memref<1024x16xf32, #tpu.memory_space<vmem>>, vector<1024x16xf32>
    tpu.vector_store %arg6[%swap3A, %swap3A_18], %add3A_17 {strides = array<i32>} : memref<1024x16xf32, #tpu.memory_space<vmem>>, vector<1024x16xf32>,
    %mul3A = arith.constant 1024 : i32
    %mul3A_20 = arith.muli %arg0, %mul3A : i32
    %iota3A = tpu.iota {dimensions = array<i32: 0>} : vector<1024x1xi32>
    %add3A_21 = vector.broadcast %mul3A_20 : i32 to vector<1024x1xi32>
    %add3A_22 = arith.addi %add3A_21, %iota3A : vector<1024x1xi32>
    %lt3A = arith.constant 100000 : i32
    %lt3A_23 = vector.broadcast %lt3A : i32 to vector<1024x1xi32>
    %lt3A_24 = arith.cmpi slt, %add3A_22, %lt3A_23 : vector<1024x1xi32>
    %jit3A = arith.constant 0.000000e+00 : f32
    %broadcast_in_dim3A_25 = vector.shape_cast %lt3A_24 : vector<1024x1xi1> to vector<1024x1xi1>
    %broadcast_in_dim3A_26 = vector.broadcast %broadcast_in_dim3A_25 : vector<1024x1xi1> to vector<1024x16xi1>
    %broadcast_in_dim3A_27 = vector.broadcast %jit3A : f32 to vector<1024x16xf32>
    %select_n3A = arith.select %broadcast_in_dim3A_26, %add3A_17, %broadcast_in_dim3A_27 : vector<1024x16xi1>, vector<1024x16xf32>
    %eq3A = arith.constant 0 : i32
    %eq3A_28 = arith.cmpi eq, %arg0, %eq3A : i32
    %convert_element_type3A = arith.extui %eq3A_28 : i1 to i32
    %cond3A = arith.constant 0 : i32
    %cond3A_29 = arith.cmpi ne, %convert_element_type3A, %cond3A : i32
    scf.if %cond3A_29 {
      %broadcast_in_dim3A_55 = arith.constant 0.000000e+00 : f32
      %broadcast_in_dim3A_56 = vector.broadcast %broadcast_in_dim3A_55 : f32 to vector<8x16xf32>
      %swap3A_57 = arith.constant 0 : index
      %swap3A_58 = arith.constant 0 : index
      %swap3A_59 = vector.load %arg8[%swap3A_57, %swap3A_58] : memref<8x16xf32, #tpu.memory_space<vmem>>, vector<8x16xf32>
      tpu.vector_store %arg8[%swap3A_57, %swap3A_58], %broadcast_in_dim3A_56 {strides = array<i32>} : memref<8x16xf32, #tpu.memory_space<vmem>>, vector<8x16xf32>,
    } else {
    }
    %get3A_30 = arith.constant 0 : index
    %get3A_31 = arith.constant 0 : index
    %get3A_32 = vector.load %arg8[%get3A_30, %get3A_31] : memref<8x16xf32, #tpu.memory_space<vmem>>, vector<1x16xf32>
    %reduce_sum3A = arith.constant dense<0.000000e+00> : vector<16xf32>
    %reduce_sum3A_33 = vector.multi_reduction <add>, %select_n3A, %reduce_sum3A [0] : vector<1024x16xf32> to vector<16xf32>
    %broadcast_in_dim3A_34 = vector.shape_cast %reduce_sum3A_33 : vector<16xf32> to vector<1x16xf32>
    %add3A_35 = arith.addf %get3A_32, %broadcast_in_dim3A_34 : vector<1x16xf32>
    %swap3A_36 = arith.constant 0 : index
    %swap3A_37 = arith.constant 0 : index
    %swap3A_38 = vector.load %arg8[%swap3A_36, %swap3A_37] : memref<8x16xf32, #tpu.memory_space<vmem>>, vector<1x16xf32>
    tpu.vector_store %arg8[%swap3A_36, %swap3A_37], %add3A_35 {strides = array<i32>} : memref<8x16xf32, #tpu.memory_space<vmem>>, vector<1x16xf32>,
    %get3A_39 = arith.constant 1 : index
    %get3A_40 = arith.constant 0 : index
    %get3A_41 = vector.load %arg8[%get3A_39, %get3A_40] : memref<8x16xf32, #tpu.memory_space<vmem>>, vector<1x16xf32>
    %mul3A_42 = arith.mulf %select_n3A, %select_n3A : vector<1024x16xf32>
    %reduce_sum3A_43 = arith.constant dense<0.000000e+00> : vector<16xf32>
    %reduce_sum3A_44 = vector.multi_reduction <add>, %mul3A_42, %reduce_sum3A_43 [0] : vector<1024x16xf32> to vector<16xf32>
    %broadcast_in_dim3A_45 = vector.shape_cast %reduce_sum3A_44 : vector<16xf32> to vector<1x16xf32>
    %add3A_46 = arith.addf %get3A_41, %broadcast_in_dim3A_45 : vector<1x16xf32>
    %swap3A_47 = arith.constant 1 : index
    %swap3A_48 = arith.constant 0 : index
    %swap3A_49 = vector.load %arg8[%swap3A_47, %swap3A_48] : memref<8x16xf32, #tpu.memory_space<vmem>>, vector<1x16xf32>
    tpu.vector_store %arg8[%swap3A_47, %swap3A_48], %add3A_46 {strides = array<i32>} : memref<8x16xf32, #tpu.memory_space<vmem>>, vector<1x16xf32>,
    %eq3A_50 = arith.constant 97 : i32
    %eq3A_51 = arith.cmpi eq, %arg0, %eq3A_50 : i32
    %convert_element_type3A_52 = arith.extui %eq3A_51 : i1 to i32
    %cond3A_53 = arith.constant 0 : i32
    %cond3A_54 = arith.cmpi ne, %convert_element_type3A_52, %cond3A_53 : i32
    scf.if %cond3A_54 {
      %get3A_55 = arith.constant 0 : index
      %get3A_56 = arith.constant 0 : index
      %get3A_57 = vector.load %arg8[%get3A_55, %get3A_56] : memref<8x16xf32, #tpu.memory_space<vmem>>, vector<8x16xf32>
      %swap3A_58 = arith.constant 0 : index
      %swap3A_59 = arith.constant 0 : index
      %swap3A_60 = vector.load %arg7[%swap3A_58, %swap3A_59] : memref<8x16xf32, #tpu.memory_space<vmem>>, vector<8x16xf32>
      tpu.vector_store %arg7[%swap3A_58, %swap3A_59], %get3A_57 {strides = array<i32>} : memref<8x16xf32, #tpu.memory_space<vmem>>, vector<8x16xf32>,
    } else {
    }
    return
  }
  func.func @transform_0(%arg0: i32) -> (i32, i32) {
    %c0_i32 = arith.constant 0 : i32
    %c0_i32_0 = arith.constant 0 : i32
    return %arg0, %c0_i32 : i32, i32
  }
  func.func @transform_1(%arg0: i32) -> (i32, i32) {
    %c0_i32 = arith.constant 0 : i32
    %c0_i32_0 = arith.constant 0 : i32
    return %arg0, %c0_i32 : i32, i32
  }
  func.func @transform_2(%arg0: i32) -> (i32, i32) {
    %c0_i32 = arith.constant 0 : i32
    %c0_i32_0 = arith.constant 0 : i32
    return %arg0, %c0_i32 : i32, i32
  }
  func.func @transform_3(%arg0: i32) -> (i32, i32) {
    %c0_i32 = arith.constant 0 : i32
    %c0_i32_0 = arith.constant 0 : i32
    %c0_i32_1 = arith.constant 0 : i32
    return %c0_i32, %c0_i32_0 : i32, i32
  }
  func.func @transform_4(%arg0: i32) -> (i32, i32) {
    %c0_i32 = arith.constant 0 : i32
    %c0_i32_0 = arith.constant 0 : i32
    %c0_i32_1 = arith.constant 0 : i32
    return %c0_i32, %c0_i32_0 : i32, i32
  }
  func.func @transform_5(%arg0: i32) -> (i32, i32) {
    %c0_i32 = arith.constant 0 : i32
    %c0_i32_0 = arith.constant 0 : i32
    return %arg0, %c0_i32 : i32, i32
  }
  func.func @transform_6(%arg0: i32) -> (i32, i32) {
    %c0_i32 = arith.constant 0 : i32
    %c0_i32_0 = arith.constant 0 : i32
    %c0_i32_1 = arith.constant 0 : i32
    return %c0_i32, %c0_i32_0 : i32, i32
  }
}

module attributes {stable_mosaic.version = 14 : i64} {
  func.func @_final_body(%arg0: i32, %arg1: memref<512x16xf32, #tpu.memory_space<vmem>>, %arg2: memref<1x1x512xi32, #tpu.memory_space<vmem>>, %arg3: memref<8x16xf32, #tpu.memory_space<vmem>>, %arg4: memref<16x16xf32, #tpu.memory_space<vmem>>, %arg5: memref<40x16xf32, #tpu.memory_space<vmem>>, %arg6: memref<16x16xf32, #tpu.memory_space<vmem>>, %arg7: memref<8x16xf32, #tpu.memory_space<vmem>>, %arg8: memref<64x16xf32, #tpu.memory_space<vmem>>, %arg9: memref<64x16xf32, #tpu.memory_space<vmem>>, %arg10: memref<64x16xf32, #tpu.memory_space<vmem>>, %arg11: memref<64x1xf32, #tpu.memory_space<vmem>>) attributes {dimension_semantics = [#tpu.dimension_semantics<arbitrary>], iteration_bounds = array<i64: 196>, scalar_prefetch = 0 : i64, scratch_operands = 3 : i64, tpu.core_type = #tpu.core_type<tc>, window_params = [{transform_indices = @transform_0, window_bounds = array<i64: 512, 16>}, {transform_indices = @transform_1, window_bounds = array<i64: 1, 1, 512>}, {pipeline_mode = #tpu.pipeline_mode<synchronous>, transform_indices = @transform_2, window_bounds = array<i64: 8, 16>}, {pipeline_mode = #tpu.pipeline_mode<synchronous>, transform_indices = @transform_3, window_bounds = array<i64: 16, 16>}, {pipeline_mode = #tpu.pipeline_mode<synchronous>, transform_indices = @transform_4, window_bounds = array<i64: 40, 16>}, {pipeline_mode = #tpu.pipeline_mode<synchronous>, transform_indices = @transform_5, window_bounds = array<i64: 16, 16>}, {pipeline_mode = #tpu.pipeline_mode<synchronous>, transform_indices = @transform_6, window_bounds = array<i64: 8, 16>}, {pipeline_mode = #tpu.pipeline_mode<synchronous>, transform_indices = @transform_7, window_bounds = array<i64: 64, 16>}]} {
    %get3A = arith.constant 0 : index
    %get3A_0 = arith.constant 0 : index
    %get3A_1 = vector.load %arg7[%get3A, %get3A_0] : memref<8x16xf32, #tpu.memory_space<vmem>>, vector<8x16xf32>
    %slice3A = vector.extract_strided_slice %get3A_1 {offsets = [0, 0], sizes = [1, 16], strides = [1, 1]} : vector<8x16xf32> to vector<1x16xf32>
    %squeeze3A = vector.shape_cast %slice3A : vector<1x16xf32> to vector<16xf32>
    %slice3A_2 = vector.extract_strided_slice %get3A_1 {offsets = [1, 0], sizes = [1, 16], strides = [1, 1]} : vector<8x16xf32> to vector<1x16xf32>
    %squeeze3A_3 = vector.shape_cast %slice3A_2 : vector<1x16xf32> to vector<16xf32>
    %slice3A_4 = vector.extract_strided_slice %get3A_1 {offsets = [2, 0], sizes = [1, 16], strides = [1, 1]} : vector<8x16xf32> to vector<1x16xf32>
    %squeeze3A_5 = vector.shape_cast %slice3A_4 : vector<1x16xf32> to vector<16xf32>
    %eq3A = arith.constant 0 : i32
    %eq3A_6 = arith.cmpi eq, %arg0, %eq3A : i32
    %convert_element_type3A = arith.extui %eq3A_6 : i1 to i32
    %cond3A = arith.constant 0 : i32
    %cond3A_7 = arith.cmpi ne, %convert_element_type3A, %cond3A : i32
    scf.if %cond3A_7 {
      %broadcast_in_dim3A_92 = arith.constant 0.000000e+00 : f32
      %broadcast_in_dim3A_93 = vector.broadcast %broadcast_in_dim3A_92 : f32 to vector<64x16xf32>
      %swap3A_94 = arith.constant 0 : index
      %swap3A_95 = arith.constant 0 : index
      %swap3A_96 = vector.load %arg9[%swap3A_94, %swap3A_95] : memref<64x16xf32, #tpu.memory_space<vmem>>, vector<64x16xf32>
      tpu.vector_store %arg9[%swap3A_94, %swap3A_95], %broadcast_in_dim3A_93 {strides = array<i32>} : memref<64x16xf32, #tpu.memory_space<vmem>>, vector<64x16xf32>,
      %broadcast_in_dim3A_97 = arith.constant -3.000000e+38 : f32
      %broadcast_in_dim3A_98 = vector.broadcast %broadcast_in_dim3A_97 : f32 to vector<64x16xf32>
      %swap3A_99 = arith.constant 0 : index
      %swap3A_100 = arith.constant 0 : index
      %swap3A_101 = vector.load %arg10[%swap3A_99, %swap3A_100] : memref<64x16xf32, #tpu.memory_space<vmem>>, vector<64x16xf32>
      tpu.vector_store %arg10[%swap3A_99, %swap3A_100], %broadcast_in_dim3A_98 {strides = array<i32>} : memref<64x16xf32, #tpu.memory_space<vmem>>, vector<64x16xf32>,
      %broadcast_in_dim3A_102 = arith.constant 0.000000e+00 : f32
      %broadcast_in_dim3A_103 = vector.broadcast %broadcast_in_dim3A_102 : f32 to vector<64x1xf32>
      %swap3A_104 = arith.constant 0 : index
      %swap3A_105 = arith.constant 0 : index
      %swap3A_106 = vector.load %arg11[%swap3A_104, %swap3A_105] : memref<64x1xf32, #tpu.memory_space<vmem>>, vector<64x1xf32>
      tpu.vector_store %arg11[%swap3A_104, %swap3A_105], %broadcast_in_dim3A_103 {strides = array<i32>} : memref<64x1xf32, #tpu.memory_space<vmem>>, vector<64x1xf32>,
    } else {
    }
    %get3A_8 = arith.constant 0 : index
    %get3A_9 = arith.constant 0 : index
    %get3A_10 = vector.load %arg3[%get3A_8, %get3A_9] : memref<8x16xf32, #tpu.memory_space<vmem>>, vector<8x16xf32>
    %slice3A_11 = vector.extract_strided_slice %get3A_10 {offsets = [0, 0], sizes = [1, 16], strides = [1, 1]} : vector<8x16xf32> to vector<1x16xf32>
    %squeeze3A_12 = vector.shape_cast %slice3A_11 : vector<1x16xf32> to vector<16xf32>
    %div3A = arith.constant 1.000000e+05 : f32
    %div3A_13 = vector.broadcast %div3A : f32 to vector<16xf32>
    %div3A_14 = arith.divf %squeeze3A_12, %div3A_13 : vector<16xf32>
    %slice3A_15 = vector.extract_strided_slice %get3A_10 {offsets = [1, 0], sizes = [1, 16], strides = [1, 1]} : vector<8x16xf32> to vector<1x16xf32>
    %squeeze3A_16 = vector.shape_cast %slice3A_15 : vector<1x16xf32> to vector<16xf32>
    %div3A_17 = arith.constant 1.000000e+05 : f32
    %div3A_18 = vector.broadcast %div3A_17 : f32 to vector<16xf32>
    %div3A_19 = arith.divf %squeeze3A_16, %div3A_18 : vector<16xf32>
    %mul3A = arith.mulf %div3A_14, %div3A_14 : vector<16xf32>
    %sub3A = arith.subf %div3A_19, %mul3A : vector<16xf32>
    %add3A = arith.constant 9.99999974E-6 : f32
    %add3A_20 = vector.broadcast %add3A : f32 to vector<16xf32>
    %add3A_21 = arith.addf %sub3A, %add3A_20 : vector<16xf32>
    %rsqrt3A = math.rsqrt %add3A_21 : vector<16xf32>
    %get3A_22 = arith.constant 0 : index
    %get3A_23 = arith.constant 0 : index
    %get3A_24 = vector.load %arg1[%get3A_22, %get3A_23] : memref<512x16xf32, #tpu.memory_space<vmem>>, vector<512x16xf32>
    %broadcast_in_dim3A = vector.shape_cast %div3A_14 : vector<16xf32> to vector<1x16xf32>
    %sub3A_25 = vector.broadcast %broadcast_in_dim3A : vector<1x16xf32> to vector<512x16xf32>
    %sub3A_26 = arith.subf %get3A_24, %sub3A_25 : vector<512x16xf32>
    %mul3A_27 = arith.mulf %rsqrt3A, %squeeze3A : vector<16xf32>
    %broadcast_in_dim3A_28 = vector.shape_cast %mul3A_27 : vector<16xf32> to vector<1x16xf32>
    %mul3A_29 = vector.broadcast %broadcast_in_dim3A_28 : vector<1x16xf32> to vector<512x16xf32>
    %mul3A_30 = arith.mulf %sub3A_26, %mul3A_29 : vector<512x16xf32>
    %broadcast_in_dim3A_31 = vector.shape_cast %squeeze3A_3 : vector<16xf32> to vector<1x16xf32>
    %add3A_32 = vector.broadcast %broadcast_in_dim3A_31 : vector<1x16xf32> to vector<512x16xf32>
    %add3A_33 = arith.addf %mul3A_30, %add3A_32 : vector<512x16xf32>
    %max3A = arith.constant 0.000000e+00 : f32
    %max3A_34 = vector.broadcast %max3A : f32 to vector<512x16xf32>
    %max3A_35 = arith.maximumf %add3A_33, %max3A_34 : vector<512x16xf32>
    %get3A_36 = arith.constant 0 : index
    %get3A_37 = arith.constant 0 : index
    %get3A_38 = vector.load %arg4[%get3A_36, %get3A_37] : memref<16x16xf32, #tpu.memory_space<vmem>>, vector<16x16xf32>
    %dot_general3A = arith.constant dense<0.000000e+00> : vector<512x16xf32>
    %dot_general3A_39 = tpu.matmul %max3A_35, %get3A_38, %dot_general3A {dimension_numbers = #tpu.dot_dimension_numbers<[1], [0], [0], [1], [0, 0, 1, 1], [], []>, transpose_lhs_hint = false} : vector<512x16xf32>, vector<16x16xf32>, vector<512x16xf32> -> vector<512x16xf32>
    %broadcast_in_dim3A_40 = vector.shape_cast %squeeze3A_5 : vector<16xf32> to vector<1x16xf32>
    %add3A_41 = vector.broadcast %broadcast_in_dim3A_40 : vector<1x16xf32> to vector<512x16xf32>
    %add3A_42 = arith.addf %dot_general3A_39, %add3A_41 : vector<512x16xf32>
    %get3A_43 = arith.constant 0 : index
    %get3A_44 = arith.constant 0 : index
    %get3A_45 = arith.constant 0 : index
    %get3A_46 = vector.load %arg2[%get3A_43, %get3A_44, %get3A_45] : memref<1x1x512xi32, #tpu.memory_space<vmem>>, vector<1x1x512xi32>
    %get3A_47 = vector.shape_cast %get3A_46 : vector<1x1x512xi32> to vector<1x512xi32>
    %iota3A = tpu.iota {dimensions = array<i32: 0>} : vector<64x1xi32>
    %eq3A_48 = vector.broadcast %get3A_47 : vector<1x512xi32> to vector<64x512xi32>
    %eq3A_49 = vector.broadcast %iota3A : vector<64x1xi32> to vector<64x512xi32>
    %eq3A_50 = arith.cmpi eq, %eq3A_48, %eq3A_49 : vector<64x512xi32>
    %convert_element_type3A_51 = arith.extui %eq3A_50 : vector<64x512xi1> to vector<64x512xi32>
    %convert_element_type3A_52 = arith.sitofp %convert_element_type3A_51 : vector<64x512xi32> to vector<64x512xf32>
    %get3A_53 = arith.constant 0 : index
    %get3A_54 = arith.constant 0 : index
    %get3A_55 = vector.load %arg9[%get3A_53, %get3A_54] : memref<64x16xf32, #tpu.memory_space<vmem>>, vector<64x16xf32>
    %dot_general3A_56 = arith.constant dense<0.000000e+00> : vector<64x16xf32>
    %dot_general3A_57 = tpu.matmul %convert_element_type3A_52, %add3A_42, %dot_general3A_56 {dimension_numbers = #tpu.dot_dimension_numbers<[1], [0], [0], [1], [0, 0, 1, 1], [], []>, transpose_lhs_hint = false} : vector<64x512xf32>, vector<512x16xf32>, vector<64x16xf32> -> vector<64x16xf32>
    %add3A_58 = arith.addf %get3A_55, %dot_general3A_57 : vector<64x16xf32>
    %swap3A = arith.constant 0 : index
    %swap3A_59 = arith.constant 0 : index
    %swap3A_60 = vector.load %arg9[%swap3A, %swap3A_59] : memref<64x16xf32, #tpu.memory_space<vmem>>, vector<64x16xf32>
    tpu.vector_store %arg9[%swap3A, %swap3A_59], %add3A_58 {strides = array<i32>} : memref<64x16xf32, #tpu.memory_space<vmem>>, vector<64x16xf32>,
    %get3A_61 = arith.constant 0 : index
    %get3A_62 = arith.constant 0 : index
    %get3A_63 = vector.load %arg11[%get3A_61, %get3A_62] : memref<64x1xf32, #tpu.memory_space<vmem>>, vector<64x1xf32>
    %reduce_sum3A = arith.constant dense<0.000000e+00> : vector<64xf32>
    %reduce_sum3A_64 = vector.multi_reduction <add>, %convert_element_type3A_52, %reduce_sum3A [1] : vector<64x512xf32> to vector<64xf32>
    %broadcast_in_dim3A_65 = vector.shape_cast %reduce_sum3A_64 : vector<64xf32> to vector<64x1xf32>
    %add3A_66 = arith.addf %get3A_63, %broadcast_in_dim3A_65 : vector<64x1xf32>
    %swap3A_67 = arith.constant 0 : index
    %swap3A_68 = arith.constant 0 : index
    %swap3A_69 = vector.load %arg11[%swap3A_67, %swap3A_68] : memref<64x1xf32, #tpu.memory_space<vmem>>, vector<64x1xf32>
    tpu.vector_store %arg11[%swap3A_67, %swap3A_68], %add3A_66 {strides = array<i32>} : memref<64x1xf32, #tpu.memory_space<vmem>>, vector<64x1xf32>,
    %broadcast_in_dim3A_70 = vector.shape_cast %convert_element_type3A_52 : vector<64x512xf32> to vector<64x512x1xf32>
    %gt3A = arith.constant 0.000000e+00 : f32
    %gt3A_71 = vector.broadcast %gt3A : f32 to vector<64x512x1xf32>
    %gt3A_72 = arith.cmpf ogt, %broadcast_in_dim3A_70, %gt3A_71 : vector<64x512x1xf32>
    %broadcast_in_dim3A_73 = vector.shape_cast %add3A_42 : vector<512x16xf32> to vector<1x512x16xf32>
    %jit3A = arith.constant -3.000000e+38 : f32
    %broadcast_in_dim3A_74 = vector.shape_cast %gt3A_72 : vector<64x512x1xi1> to vector<64x512x1xi1>
    %broadcast_in_dim3A_75 = vector.broadcast %broadcast_in_dim3A_74 : vector<64x512x1xi1> to vector<64x512x16xi1>
    %broadcast_in_dim3A_76 = vector.shape_cast %broadcast_in_dim3A_73 : vector<1x512x16xf32> to vector<1x512x16xf32>
    %broadcast_in_dim3A_77 = vector.broadcast %broadcast_in_dim3A_76 : vector<1x512x16xf32> to vector<64x512x16xf32>
    %broadcast_in_dim3A_78 = vector.broadcast %jit3A : f32 to vector<64x512x16xf32>
    %select_n3A = arith.select %broadcast_in_dim3A_75, %broadcast_in_dim3A_77, %broadcast_in_dim3A_78 : vector<64x512x16xi1>, vector<64x512x16xf32>
    %get3A_79 = arith.constant 0 : index
    %get3A_80 = arith.constant 0 : index
    %get3A_81 = vector.load %arg10[%get3A_79, %get3A_80] : memref<64x16xf32, #tpu.memory_space<vmem>>, vector<64x16xf32>
    %reduce_max3A = arith.constant dense<0xFF800000> : vector<64x16xf32>
    %reduce_max3A_82 = vector.multi_reduction <maximumf>, %select_n3A, %reduce_max3A [1] : vector<64x512x16xf32> to vector<64x16xf32>
    %max3A_83 = arith.maximumf %get3A_81, %reduce_max3A_82 : vector<64x16xf32>
    %swap3A_84 = arith.constant 0 : index
    %swap3A_85 = arith.constant 0 : index
    %swap3A_86 = vector.load %arg10[%swap3A_84, %swap3A_85] : memref<64x16xf32, #tpu.memory_space<vmem>>, vector<64x16xf32>
    tpu.vector_store %arg10[%swap3A_84, %swap3A_85], %max3A_83 {strides = array<i32>} : memref<64x16xf32, #tpu.memory_space<vmem>>, vector<64x16xf32>,
    %eq3A_87 = arith.constant 195 : i32
    %eq3A_88 = arith.cmpi eq, %arg0, %eq3A_87 : i32
    %convert_element_type3A_89 = arith.extui %eq3A_88 : i1 to i32
    %cond3A_90 = arith.constant 0 : i32
    %cond3A_91 = arith.cmpi ne, %convert_element_type3A_89, %cond3A_90 : i32
    scf.if %cond3A_91 {
      %get3A_92 = arith.constant 0 : index
      %get3A_93 = arith.constant 0 : index
      %get3A_94 = vector.load %arg11[%get3A_92, %get3A_93] : memref<64x1xf32, #tpu.memory_space<vmem>>, vector<64x1xf32>
      %get3A_95 = arith.constant 0 : index
      %get3A_96 = arith.constant 0 : index
      %get3A_97 = vector.load %arg9[%get3A_95, %get3A_96] : memref<64x16xf32, #tpu.memory_space<vmem>>, vector<64x16xf32>
      %max3A_98 = arith.constant 1.000000e+00 : f32
      %max3A_99 = vector.broadcast %max3A_98 : f32 to vector<64x1xf32>
      %max3A_100 = arith.maximumf %get3A_94, %max3A_99 : vector<64x1xf32>
      %div3A_101 = vector.broadcast %max3A_100 : vector<64x1xf32> to vector<64x16xf32>
      %div3A_102 = arith.divf %get3A_97, %div3A_101 : vector<64x16xf32>
      %gt3A_103 = arith.constant 0.000000e+00 : f32
      %gt3A_104 = vector.broadcast %gt3A_103 : f32 to vector<64x1xf32>
      %gt3A_105 = arith.cmpf ogt, %get3A_94, %gt3A_104 : vector<64x1xf32>
      %get3A_106 = arith.constant 0 : index
      %get3A_107 = arith.constant 0 : index
      %get3A_108 = vector.load %arg10[%get3A_106, %get3A_107] : memref<64x16xf32, #tpu.memory_space<vmem>>, vector<64x16xf32>
      %jit3A_109 = arith.constant 0.000000e+00 : f32
      %broadcast_in_dim3A_110 = vector.shape_cast %gt3A_105 : vector<64x1xi1> to vector<64x1xi1>
      %broadcast_in_dim3A_111 = vector.broadcast %broadcast_in_dim3A_110 : vector<64x1xi1> to vector<64x16xi1>
      %broadcast_in_dim3A_112 = vector.broadcast %jit3A_109 : f32 to vector<64x16xf32>
      %select_n3A_113 = arith.select %broadcast_in_dim3A_111, %get3A_108, %broadcast_in_dim3A_112 : vector<64x16xi1>, vector<64x16xf32>
      %slice3A_114 = vector.extract_strided_slice %get3A_1 {offsets = [3, 0], sizes = [1, 16], strides = [1, 1]} : vector<8x16xf32> to vector<1x16xf32>
      %squeeze3A_115 = vector.shape_cast %slice3A_114 : vector<1x16xf32> to vector<16xf32>
      %slice3A_116 = vector.extract_strided_slice %get3A_1 {offsets = [4, 0], sizes = [1, 16], strides = [1, 1]} : vector<8x16xf32> to vector<1x16xf32>
      %squeeze3A_117 = vector.shape_cast %slice3A_116 : vector<1x16xf32> to vector<16xf32>
      %broadcast_in_dim3A_118 = arith.constant 0.000000e+00 : f32
      %broadcast_in_dim3A_119 = vector.broadcast %broadcast_in_dim3A_118 : f32 to vector<64x7xf32>
      %concatenate3A = tpu.concatenate %div3A_102, %select_n3A_113, %get3A_94, %broadcast_in_dim3A_119 in 1 : vector<64x16xf32>, vector<64x16xf32>, vector<64x1xf32>, vector<64x7xf32> -> vector<64x40xf32>
      %get3A_120 = arith.constant 0 : index
      %get3A_121 = arith.constant 0 : index
      %get3A_122 = vector.load %arg5[%get3A_120, %get3A_121] : memref<40x16xf32, #tpu.memory_space<vmem>>, vector<40x16xf32>
      %dot_general3A_123 = arith.constant dense<0.000000e+00> : vector<64x16xf32>
      %dot_general3A_124 = tpu.matmul %concatenate3A, %get3A_122, %dot_general3A_123 {dimension_numbers = #tpu.dot_dimension_numbers<[1], [0], [0], [1], [0, 0, 1, 1], [], []>, transpose_lhs_hint = false} : vector<64x40xf32>, vector<40x16xf32>, vector<64x16xf32> -> vector<64x16xf32>
      %broadcast_in_dim3A_125 = vector.shape_cast %squeeze3A_115 : vector<16xf32> to vector<1x16xf32>
      %add3A_126 = vector.broadcast %broadcast_in_dim3A_125 : vector<1x16xf32> to vector<64x16xf32>
      %add3A_127 = arith.addf %dot_general3A_124, %add3A_126 : vector<64x16xf32>
      %gt3A_128 = arith.constant 0.000000e+00 : f32
      %gt3A_129 = vector.broadcast %gt3A_128 : f32 to vector<64x16xf32>
      %gt3A_130 = arith.cmpf ogt, %add3A_127, %gt3A_129 : vector<64x16xf32>
      %exp3A = math.exp %add3A_127 : vector<64x16xf32>
      %sub3A_131 = arith.constant 1.000000e+00 : f32
      %sub3A_132 = vector.broadcast %sub3A_131 : f32 to vector<64x16xf32>
      %sub3A_133 = arith.subf %exp3A, %sub3A_132 : vector<64x16xf32>
      %mul3A_134 = arith.constant 1.000000e-01 : f32
      %mul3A_135 = vector.broadcast %mul3A_134 : f32 to vector<64x16xf32>
      %mul3A_136 = arith.mulf %mul3A_135, %sub3A_133 : vector<64x16xf32>
      %select_n3A_137 = arith.select %gt3A_130, %add3A_127, %mul3A_136 : vector<64x16xi1>, vector<64x16xf32>
      %get3A_138 = arith.constant 0 : index
      %get3A_139 = arith.constant 0 : index
      %get3A_140 = vector.load %arg6[%get3A_138, %get3A_139] : memref<16x16xf32, #tpu.memory_space<vmem>>, vector<16x16xf32>
      %dot_general3A_141 = arith.constant dense<0.000000e+00> : vector<64x16xf32>
      %dot_general3A_142 = tpu.matmul %select_n3A_137, %get3A_140, %dot_general3A_141 {dimension_numbers = #tpu.dot_dimension_numbers<[1], [0], [0], [1], [0, 0, 1, 1], [], []>, transpose_lhs_hint = false} : vector<64x16xf32>, vector<16x16xf32>, vector<64x16xf32> -> vector<64x16xf32>
      %broadcast_in_dim3A_143 = vector.shape_cast %squeeze3A_117 : vector<16xf32> to vector<1x16xf32>
      %add3A_144 = vector.broadcast %broadcast_in_dim3A_143 : vector<1x16xf32> to vector<64x16xf32>
      %add3A_145 = arith.addf %dot_general3A_142, %add3A_144 : vector<64x16xf32>
      %iota3A_146 = tpu.iota {dimensions = array<i32: 1>} : vector<1x16xi32>
      %lt3A = arith.constant 10 : i32
      %lt3A_147 = vector.broadcast %lt3A : i32 to vector<1x16xi32>
      %lt3A_148 = arith.cmpi slt, %iota3A_146, %lt3A_147 : vector<1x16xi32>
      %jit3A_149 = arith.constant -3.000000e+38 : f32
      %broadcast_in_dim3A_150 = vector.shape_cast %lt3A_148 : vector<1x16xi1> to vector<1x16xi1>
      %broadcast_in_dim3A_151 = vector.broadcast %broadcast_in_dim3A_150 : vector<1x16xi1> to vector<64x16xi1>
      %broadcast_in_dim3A_152 = vector.broadcast %jit3A_149 : f32 to vector<64x16xf32>
      %select_n3A_153 = arith.select %broadcast_in_dim3A_151, %add3A_145, %broadcast_in_dim3A_152 : vector<64x16xi1>, vector<64x16xf32>
      %reduce_max3A_154 = arith.constant dense<0xFF800000> : vector<64xf32>
      %reduce_max3A_155 = vector.multi_reduction <maximumf>, %select_n3A_153, %reduce_max3A_154 [1] : vector<64x16xf32> to vector<64xf32>
      %broadcast_in_dim3A_156 = vector.shape_cast %reduce_max3A_155 : vector<64xf32> to vector<64x1xf32>
      %sub3A_157 = vector.broadcast %broadcast_in_dim3A_156 : vector<64x1xf32> to vector<64x16xf32>
      %sub3A_158 = arith.subf %select_n3A_153, %sub3A_157 : vector<64x16xf32>
      %exp3A_159 = math.exp %sub3A_158 : vector<64x16xf32>
      %reduce_sum3A_160 = arith.constant dense<0.000000e+00> : vector<64xf32>
      %reduce_sum3A_161 = vector.multi_reduction <add>, %exp3A_159, %reduce_sum3A_160 [1] : vector<64x16xf32> to vector<64xf32>
      %broadcast_in_dim3A_162 = vector.shape_cast %reduce_sum3A_161 : vector<64xf32> to vector<64x1xf32>
      %div3A_163 = vector.broadcast %broadcast_in_dim3A_162 : vector<64x1xf32> to vector<64x16xf32>
      %div3A_164 = arith.divf %exp3A_159, %div3A_163 : vector<64x16xf32>
      %swap3A_165 = arith.constant 0 : index
      %swap3A_166 = arith.constant 0 : index
      %swap3A_167 = vector.load %arg8[%swap3A_165, %swap3A_166] : memref<64x16xf32, #tpu.memory_space<vmem>>, vector<64x16xf32>
      tpu.vector_store %arg8[%swap3A_165, %swap3A_166], %div3A_164 {strides = array<i32>} : memref<64x16xf32, #tpu.memory_space<vmem>>, vector<64x16xf32>,
    } else {
    }
    return
  }
  func.func @transform_0(%arg0: i32) -> (i32, i32) {
    %c0_i32 = arith.constant 0 : i32
    %c0_i32_0 = arith.constant 0 : i32
    return %arg0, %c0_i32 : i32, i32
  }
  func.func @transform_1(%arg0: i32) -> (i32, i32, i32) {
    %c0_i32 = arith.constant 0 : i32
    %c0_i32_0 = arith.constant 0 : i32
    %c0_i32_1 = arith.constant 0 : i32
    return %arg0, %c0_i32, %c0_i32_0 : i32, i32, i32
  }
  func.func @transform_2(%arg0: i32) -> (i32, i32) {
    %c0_i32 = arith.constant 0 : i32
    %c0_i32_0 = arith.constant 0 : i32
    %c0_i32_1 = arith.constant 0 : i32
    return %c0_i32, %c0_i32_0 : i32, i32
  }
  func.func @transform_3(%arg0: i32) -> (i32, i32) {
    %c0_i32 = arith.constant 0 : i32
    %c0_i32_0 = arith.constant 0 : i32
    %c0_i32_1 = arith.constant 0 : i32
    return %c0_i32, %c0_i32_0 : i32, i32
  }
  func.func @transform_4(%arg0: i32) -> (i32, i32) {
    %c0_i32 = arith.constant 0 : i32
    %c0_i32_0 = arith.constant 0 : i32
    %c0_i32_1 = arith.constant 0 : i32
    return %c0_i32, %c0_i32_0 : i32, i32
  }
  func.func @transform_5(%arg0: i32) -> (i32, i32) {
    %c0_i32 = arith.constant 0 : i32
    %c0_i32_0 = arith.constant 0 : i32
    %c0_i32_1 = arith.constant 0 : i32
    return %c0_i32, %c0_i32_0 : i32, i32
  }
  func.func @transform_6(%arg0: i32) -> (i32, i32) {
    %c0_i32 = arith.constant 0 : i32
    %c0_i32_0 = arith.constant 0 : i32
    %c0_i32_1 = arith.constant 0 : i32
    return %c0_i32, %c0_i32_0 : i32, i32
  }
  func.func @transform_7(%arg0: i32) -> (i32, i32) {
    %c0_i32 = arith.constant 0 : i32
    %c0_i32_0 = arith.constant 0 : i32
    %c0_i32_1 = arith.constant 0 : i32
    return %c0_i32, %c0_i32_0 : i32, i32
  }
}

</mosaic_0001>

<sc_bundles>
// kernel: kernel.11.cloned.1.call-start
scs
__scs_entry_jumppad:
0x0: {  	(pc) =	sbr.rel $0x88, $3  }
0x1: {  	(tag) =	ssettag $0x0;
	lr =	simm.s32 $0x1  }
0x2: {  	[smem:$0x3F88] =	sst lr;
	_ =	strace $0xD0000000  }
0x3: {  	_ = 	snop  }
0x4: {  	_ = 	snop  }
0x5: {  	_ = 	snop  }
0x6: {  	_ = 	snop  }
0x7: {  	_ = 	snop  }
__scs_overlays_trampoline_lowered:
0x8: {  	[smem:$0x3F97] =	sst s0  }
0x9: {  	[smem:$0x3F98] =	sst s1  }
0xa: {  	[smem:$0x3F99] =	sst s2  }
0xb: {  	[smem:$0x3F9A] =	sst s3  }
0xc: {  	[smem:$0x3F9B] =	sst s4  }
0xd: {  	[smem:$0x3F9C] =	sst s5  }
0xe: {  	[smem:$0x3F9D] =	sst s6  }
0xf: {  	[smem:$0x3F9E] =	sst s7  }
0x10: {  	[smem:$0x3F9F] =	sst s8  }
0x11: {  	[smem:$0x3FA0] =	sst s9;
	s0 =	simm.s32 @!p0 $0x0  }
0x12: {  	s1 =	sld [smem:$0x3F86];
	s0 =	simm.s32 @p0 $0x1  }
0x13: {  	[smem:$0x3FA1] =	sst s0;
	s0 =	simm.s32 @!p1 $0x0  }
0x14: {  	s2 =	sld [smem:$0x3F85];
	s0 =	simm.s32 @p1 $0x1  }
0x15: {  	[smem:$0x3FA2] =	sst s0;
	s0 =	simm.s32 @!p2 $0x0  }
0x16: {  	s3 =	sld [smem:$0x3FDB];
	s0 =	simm.s32 @p2 $0x1  }
0x17: {  	s4 =	simm.s32 $0x1BF5;
	[smem:$0x3FA4] =	sst s0  }
0x18: {  	s0 =	sld [smem:$0x3F87];
	_ =	swait.ge [sflag:s4], $0x0  }
0x19: {  	s7 =	sld [smem:$0x3F88]  }
0x1a: {  	s8 =	sadd.s32 $0xFFFFE003, lr  }
0x1b: {  	s9 =	sadd.s32 $0xFFFFFEF7, lr;
	s5 =	simm.s32 $0xFFFFFFFF;
	p2 =	slt.u32 s8, $0xFFFFF086  }
0x1c: {  	p1 =	slt.u32 s9, $0xF7A;
	s5 =	simm.s32 @!p2 $0x0  }
0x1d: {  	s5 =	simm.s32 @p1 $0x1;
	p0 =	seq.s32 s7, s2  }
0x1e: {  	s7 =	smul.u32 @!p0 $0xF7A, s2;
	p2 =	seq.s32 @!p0 s5, $0x0  }
0x1f: {  	s9 =	smul.u32 $0xF7A, s1;
	s8 =	simm.s32 @!p0 $0x1BF5;
	p2 =	por !p2, p0  }
0x20: {  	[sflag:s8] =	ssyncset.s32 @!p0 $0xFFFFF086;
	s6 =	sadd.s32 @!p0 s3, s7;
	s7 =	simm.s32 @!p0 $0x108  }
0x21: {  	s3 =	sadd.s32 s3, s9;
	s6 =	sadd.s32 @!p0 $0x88, s6;
	s7 =	simm.s32 @p2 $0x1082  }
0x22: {  	[simem:s7], [sflag:s8] =	dma.local @!p0 [hbm:s6], $0xF7A  }
0x23: {  	s9 =	sor.u32 $0xD0000000, s2;
	s6 =	simm.s32 $0x108;
	_ =	swait.ge @!p0 [sflag:s8], $0x0  }
0x24: {  	s3 =	sadd.s32 $0x88, s3;
	s6 =	simm.s32 @!p1 $0x1082;
	[sflag:s4] =	ssyncset.s32 $0xFFFFF086  }
0x25: {  	[simem:s6], [sflag:s4] =	dma.local [hbm:s3], $0xF7A  }
0x26: {  	[smem:$0x3F88] =	sst s1;
	(tag) =	ssettag s2;
	_ =	strace s9  }
0x27: {  	s1 =	sld [smem:$0x3F98]  }
0x28: {  	s2 =	sld [smem:$0x3F99]  }
0x29: {  	s4 =	sld [smem:$0x3F9B]  }
0x2a: {  	p0 =	seq.s32 s5, $0x0;
	s5 =	sld [smem:$0x3F9C]  }
0x2b: {  	s6 =	sld [smem:$0x3F9D]  }
0x2c: {  	s7 =	sld [smem:$0x3F9E]  }
0x2d: {  	s3 =	simm.s32 $0x108;
	s8 =	sld [smem:$0x3F9F]  }
0x2e: {  	s3 =	simm.s32 @!p0 $0x1082;
	s9 =	sld [smem:$0x3FA0]  }
0x2f: {  	lr =	sadd.s32 s0, s3;
	s0 =	sld [smem:$0x3F97]  }
0x30: {  	s3 =	sld [smem:$0x3F9A]  }
0x31: {  	[smem:$0x3FA3] =	sst s10  }
0x32: {  	s10 =	sld [smem:$0x3FA1];
	_ =	sdelay $0x3  }
0x33: {  	p0 =	seq.s32 s10, $0x1;
	s10 =	sld [smem:$0x3FA3];
	_ =	sdelay $0x3  }
0x34: {  	[smem:$0x3FA3] =	sst s10  }
0x35: {  	s10 =	sld [smem:$0x3FA2];
	_ =	sdelay $0x3  }
0x36: {  	p1 =	seq.s32 s10, $0x1;
	s10 =	sld [smem:$0x3FA3];
	_ =	sdelay $0x3  }
0x37: {  	[smem:$0x3FA3] =	sst s10  }
0x38: {  	s10 =	sld [smem:$0x3FA4]  }
0x39: {  	_ = 	snop;
	(pc) =	sbr.ind lr, $3  }
0x3a: {  	_ = 	snop  }
0x3b: {  	_ = 	snop  }
0x3c: {  	p2 =	seq.s32 s10, $0x1;
	s10 =	sld [smem:$0x3FA3]  }
0x3d: {  	_ =	shalt  }
0x3e: {  	_ =	shalt  }
0x3f: {  	_ =	shalt  }
0x40: {  	_ =	shalt  }
0x41: {  	_ =	shalt  }
0x42: {  	_ =	shalt  }
0x43: {  	_ =	shalt  }
0x44: {  	_ =	shalt  }
0x45: {  	_ =	shalt  }
0x46: {  	_ =	shalt  }
0x47: {  	_ =	shalt  }
0x48: {  	_ =	shalt  }
0x49: {  	_ =	shalt  }
0x4a: {  	_ =	shalt  }
0x4b: {  	_ =	shalt  }
0x4c: {  	_ =	shalt  }
0x4d: {  	_ =	shalt  }
0x4e: {  	_ =	shalt  }
0x4f: {  	_ =	shalt  }
0x50: {  	_ =	shalt  }
0x51: {  	_ =	shalt  }
0x52: {  	_ =	shalt  }
0x53: {  	_ =	shalt  }
0x54: {  	_ =	shalt  }
0x55: {  	_ =	shalt  }
0x56: {  	_ =	shalt  }
0x57: {  	_ =	shalt  }
0x58: {  	_ =	shalt  }
0x59: {  	_ =	shalt  }
0x5a: {  	_ =	shalt  }
0x5b: {  	_ =	shalt  }
0x5c: {  	_ =	shalt  }
0x5d: {  	_ =	shalt  }
0x5e: {  	_ =	shalt  }
0x5f: {  	_ =	shalt  }
0x60: {  	_ =	shalt  }
0x61: {  	_ =	shalt  }
0x62: {  	_ =	shalt  }
0x63: {  	_ =	shalt  }
0x64: {  	_ =	shalt  }
0x65: {  	_ =	shalt  }
0x66: {  	_ =	shalt  }
0x67: {  	_ =	shalt  }
0x68: {  	_ =	shalt  }
0x69: {  	_ =	shalt  }
0x6a: {  	_ =	shalt  }
0x6b: {  	_ =	shalt  }
0x6c: {  	_ =	shalt  }
0x6d: {  	_ =	shalt  }
0x6e: {  	_ =	shalt  }
0x6f: {  	_ =	shalt  }
0x70: {  	_ =	shalt  }
0x71: {  	_ =	shalt  }
0x72: {  	_ =	shalt  }
0x73: {  	_ =	shalt  }
0x74: {  	_ =	shalt  }
0x75: {  	_ =	shalt  }
0x76: {  	_ =	shalt  }
0x77: {  	_ =	shalt  }
0x78: {  	_ =	shalt  }
0x79: {  	_ =	shalt  }
0x7a: {  	_ =	shalt  }
0x7b: {  	_ =	shalt  }
0x7c: {  	_ =	shalt  }
0x7d: {  	_ =	shalt  }
0x7e: {  	_ =	shalt  }
0x7f: {  	_ =	shalt  }
0x80: {  	_ =	shalt  }
0x81: {  	_ =	shalt  }
0x82: {  	_ =	shalt  }
0x83: {  	_ =	shalt  }
0x84: {  	_ =	shalt  }
0x85: {  	_ =	shalt  }
0x86: {  	_ =	shalt  }
0x87: {  	_ =	shalt  }
.Lfunc_end0:
.L_simem_size_0:
called_computation_lowered:
.L_overlay_start_0:
0x88: {  	s2 =	sld [smem:$0x3FD9]  }
0x89: {  	s3 =	sld [smem:$0x3FFE];
	_ =	sdelay $0x1  }
0x8a: {  	s1 =	srdreg.scid  }
0x8b: {  	s0 =	sand.u32 $0x1, s1  }
0x8c: {  	s16 =	sshll.u32 s0, $0xA;
	s2 =	sadd.s32 s3, s2  }
0x8d: {  	s2 =	sadd.s32 s2, s16  }
0x8e: {  	[smem:$0x3FAF] =	sst s2  }
0x8f: {  	_ = 	snop  }
0x90: {  	(tm) =	ssettm $0x1  }
0x91: {  	s17 =	sld [smem:$0x3FFB];
	_ =	sdelay $0x3  }
0x92: {  	_ =	strace s17  }
0x93: {  	s2 =	sld [smem:$0x3FFC];
	_ =	sdelay $0x3  }
0x94: {  	_ =	strace s2  }
0x95: {  	s2 =	sld [smem:$0x3FFD];
	_ =	sdelay $0x3  }
0x96: {  	_ =	strace s2  }
0x97: {  	_ =	strace $0x8FFFFFFF  }
0x98: {  	s18 =	sld [smem:$0x3FDB];
	_ =	sdelay $0x1  }
0x99: {  	s19 =	simm.s32 $_scs_section_size  }
0x9a: {  	s4 =	simm.s32 $_size__tile_overlayer_lowered;
	s5 =	simm.s32 $_tile_overlayer_lowered  }
0x9b: {  	s22 =	simm.s32 $0x1BFF;
	s21 =	sshll.u32 s5, $0x1;
	s2 =	sadd.s32 s19, s18  }
0x9c: {  	s6 =	simm.s32 $0x0;
	s20 =	sshll.u32 s4, $0x1;
	s4 =	sadd.s32 s21, s2  }
0x9d: {  	[timem:s6], [sflag:s22] =	dma.local [hbm:s4], s20  }
0x9e: {  	_ =	swait.ge [sflag:s22], s20  }
0x9f: {  	s3 =	ssub.s32 $0x0, s20;
	[sflag:s22] =	ssyncset.done $0x0  }
0xa0: {  	[sflag:s22] =	ssyncadd.s32 s3;
	_ =	sdelay $0x1  }
0xa1: {  	s23 =	simm.s32 $0x1B8B  }
0xa2: {  	_ =	swait.ge [sflag:s23], $0x1  }
0xa3: {  	[sflag:s23] =	ssyncset.done $0x0  }
0xa4: {  	s25 =	simm.s32 $0x1B8E;
	s24 =	sld [smem:$0x3FFE];
	[sflag:s23] =	ssyncadd.s32 $0xFFFFFFFF  }
0xa5: {  	s26 =	simm.s32 $execute0_lowered;
	[smem:$0x3FD2] =	sst s25  }
0xa6: {  	s4 =	sshll.u32 s26, $0x1;
	_ =	strace $0x80000046;
	[dreg:$0x1] =	wrdreg $0xFFFFFFFF  }
0xa7: {  	s28 =	simm.s32 $_size_execute0_lowered;
	s2 =	sadd.s32 s2, s4;
	[dreg:$0x0] =	wrdreg $0x0  }
0xa8: {  	s4 =	sshll.u32 s28, $0x1;
	[dreg:$0x2] =	wrdreg s2  }
0xa9: {  	[dreg:$0x3] =	wrdreg s4  }
0xaa: {  	[dreg:$0x4] =	wrdreg $0xC0  }
0xab: {  	_ =	task [dreg:s6], $0x5FFFF  }
0xac: {  	[dreg:$0x1] =	wrdreg $0xFFFFFFFF  }
0xad: {  	[dreg:$0x0] =	wrdreg $0x60  }
0xae: {  	[dreg:$0x2] =	wrdreg s24  }
0xaf: {  	[dreg:$0x3] =	wrdreg $0x44000  }
0xb0: {  	[dreg:$0x4] =	wrdreg $0x9  }
0xb1: {  	_ =	task.clear_ibuf [dreg:s6], $0x5FFFF;
	_ =	strace $0x90000046  }
0xb2: {  	s29 =	simm.s32 $0x9;
	_ =	strace $0x80000048  }
0xb3: {  	_ =	swait.ge [sflag:s29], $0x1  }
0xb4: {  	[sflag:s29] =	ssyncadd.s32 $0xFFFFFFFF  }
0xb5: {  	_ =	strace $0x90000048  }
0xb6: {  	_ =	sfence  }
0xb7: {  	s30 =	sld [smem:$0x0];
	_ =	sdelay $0x2  }
0xb8: {  	s31 =	sshll.u32 s1, $0xD;
	s1 =	sshrl.u32 s1, $0x2  }
0xb9: {  	s3 =	sand.u32 $0x4000, s31;
	s1 =	sadd.s32 s1, s30  }
0xba: {  	s0 =	sor.u32 s3, s0;
	s1 =	sshll.u32 s1, $0x11  }
0xbb: {  	s0 =	sor.u32 s1, s0  }
0xbc: {  	s0 =	sadd.s32 $0x8F2B, s0  }
0xbd: {  	[sflag:s0] =	ssyncadd.remote.s32 $0x1  }
0xbe: {  	_ =	sfence.sel $0xFFFF  }
0xbf: {  	[dreg:$0x0] =	wrdreg $0xFFFFFFFF;
	(pc) =	sbr.abs _section_cstart, $3  }
0xc0: {  	[dreg:$0x1] =	wrdreg $0xFFFFFFFF  }
0xc1: {  	_ =	task.clear_ibuf [dreg:s6], $0x2FFFF;
	_ =	strace $0x9FFFFFFF  }
0xc2: {  	(tm) =	ssettm $0x7FFFFFFF  }
0xc3: {  	_ =	shalt  }
tec
execute0_lowered:
.L_overlay_start_1:
0x0: {  	(tag) =	ssettag $0x1  }
0x1: {  	s4 =	rddreg [dreg:$0x0];
	s0 =	stileid.u32  }
0x2: {  	s1 =	srdreg.scid;
	s2 =	rddreg [dreg:$0x1]  }
0x3: {  	s3 =	simm.s32 $0x0;
	s12 =	simm.s32 $0x0;
	s5 =	smul.u32 $0x18800, s0  }
0x4: {  	s6 =	sand.u32 $0x1, s1;
	s1 =	rddreg [dreg:$0x2];
	s30 =	smul.u32 $0x31000, s0  }
0x5: {  	[smem:$0x7FF] =	sst s3;
	s31 =	sshll.u32 s0, $0x6;
	s7 =	smul.u32 $0x188000, s6  }
0x6: {  	_ =	strace $0x80000047;
	s9 =	smul.u32 $0x310000, s6;
	s6 =	ssub.s32 $0x2, s6  }
0x7: {  	s8 =	sshrl.u32 s5, $0x3;
	s29 =	sshrl.u32 s6, $0x1;
	s11 =	sadd.s32 s5, s2  }
0x8: {  	s7 =	sadd.s32 s5, s7;
	s8 =	sadd.s32 s8, s4;
	s9 =	sadd.s32 s9, s4  }
0x9: {  	s6 =	ssub.s32 s6, s29;
	s5 =	sor.u32 $0x1C01, s31;
	s7 =	sshrl.u32 s7, $0x3  }
0xa: {  	s6 =	smax.u32 s6, $0x1;
	s10 =	sadd.s32 s7, s4;
	s4 =	sadd.s32 $0x67400, s8  }
0xb: {  	s7 =	sadd.s32 s30, s9;
	s9 =	sshrl.u32 s11, $0x3;
	s11 =	simm.s32 $0x400  }
0xc: {  	s7 =	sadd.s32 $0xFA400, s7;
	s8 =	sadd.s32 $0x98400, s10;
	s10 =	simm.s32 $0x1  }
.LBB2_1:
0xd: {  	[spmem:s9], [sflag:s5] =	dma.local [hbm:s4], $0x3100  }
0xe: {  	_ =	swait.ge [sflag:s10], $0x3100  }
0xf: {  	[sflag:s10] =	ssyncset.done $0x0  }
0x10: {  	[sflag:s10] =	ssyncadd.s32 $0xFFFFCF00  }
0x11: {  	s13 =	sadd.s32 $0x0, s8;
	[bflag:$0x0] =	sbarrier.arrive $0xFFFF  }
0x12: {  	[tilespmem:s3], [sflag:$0x1] =	stream.linear.gather [hbm4b:s13+s3], $0x400, $0x38;
	[tilespmem:$0x1CC00] =	vst v63  }
0x13: {  	_ =	swait.ge [sflag:s10], $0x400  }
0x14: {  	[sflag:s10] =	ssyncset.done $0x0  }
0x15: {  	[sflag:s10] =	ssyncadd.s32 $0xFFFFFC00  }
0x16: {  	[tilespmem:s11], [sflag:$0x1] =	stream.indirect.gather [spmem:s2], $0x10, s3, s11, $0xb8;
	[tilespmem:$0x1CC00] =	vst v63  }
0x17: {  	_ =	swait.ge [sflag:s10], $0x4000  }
0x18: {  	[sflag:s10] =	ssyncset.done $0x0  }
0x19: {  	[sflag:s10] =	ssyncadd.s32 $0xFFFFC000  }
0x1a: {  	[hbm4b:s7+s3] =	stream.linear.scatter [tilespmem:s11], [sflag:$0x1], $0x4000, $0x38;
	[tilespmem:$0x1CC00] =	vst v63  }
0x1b: {  	s14 =	simm.s32 $0x80;
	_ =	swait.ge [sflag:s10], $0x4000  }
0x1c: {  	s15 =	simm.s32 $0x100;
	s13 =	sadd.s32 $0x800, s7;
	[sflag:s10] =	ssyncset.done $0x0  }
.LBB2_2:
0x1d: {  	s16 =	sadd.s32 s14, s8  }
0x1e: {  	[sflag:s10] =	ssyncadd.s32 $0xFFFFC000;
	s14 =	smov.u32 s15;
	s17 =	sadd.s32 $0x80, s15  }
0x1f: {  	[tilespmem:s3], [sflag:$0x1] =	stream.linear.gather [hbm4b:s16+s3], $0x400, $0x38;
	[tilespmem:$0x1CC00] =	vst v63  }
0x20: {  	p0 =	sne.s32 s15, $0x3080;
	_ =	swait.ge [sflag:s10], $0x400  }
0x21: {  	[sflag:s10] =	ssyncset.done $0x0  }
0x22: {  	[sflag:s10] =	ssyncadd.s32 $0xFFFFFC00  }
0x23: {  	[tilespmem:s11], [sflag:$0x1] =	stream.indirect.gather [spmem:s2], $0x10, s3, s11, $0xb8;
	[tilespmem:$0x1CC00] =	vst v63  }
0x24: {  	_ =	swait.ge [sflag:s10], $0x4000  }
.Ltmp0:
0x25: {  	[sflag:s10] =	ssyncset.done $0x0;
	(pc) =	sbr.rel @p0 .LBB2_2-.Ltmp0, $4  }
0x26: {  	[sflag:s10] =	ssyncadd.s32 $0xFFFFC000  }
0x27: {  	[hbm4b:s13+s3] =	stream.linear.scatter [tilespmem:s11], [sflag:$0x1], $0x4000, $0x38;
	[tilespmem:$0x1CC00] =	vst v63  }
0x28: {  	_ =	swait.ge [sflag:s10], $0x4000  }
0x29: {  	s15 =	smov.u32 s17;
	s13 =	sadd.s32 $0x800, s13;
	[sflag:s10] =	ssyncset.done $0x0  }
0x2a: {  	s14 =	sadd.s32 s14, s8;
	[sflag:s10] =	ssyncadd.s32 $0xFFFFC000  }
0x2b: {  	[tilespmem:s3], [sflag:$0x1] =	stream.linear.gather [hbm4b:s14+s3], $0x400, $0x38;
	[tilespmem:$0x1CC00] =	vst v63  }
0x2c: {  	_ =	swait.ge [sflag:s10], $0x400  }
0x2d: {  	[sflag:s10] =	ssyncset.done $0x0  }
0x2e: {  	[sflag:s10] =	ssyncadd.s32 $0xFFFFFC00  }
0x2f: {  	[tilespmem:s11], [sflag:$0x1] =	stream.indirect.gather [spmem:s2], $0x10, s3, s11, $0xb8;
	[tilespmem:$0x1CC00] =	vst v63  }
0x30: {  	s12 =	sadd.s32 $0x1, s12;
	_ =	swait.ge [sflag:s10], $0x4000  }
0x31: {  	p0 =	sne.s32 s12, s6;
	[sflag:s10] =	ssyncset.done $0x0  }
.Ltmp1:
0x32: {  	[sflag:s10] =	ssyncadd.s32 $0xFFFFC000;
	(pc) =	sbr.rel @p0 .LBB2_1-.Ltmp1, $4  }
0x33: {  	[hbm4b:s13+s3] =	stream.linear.scatter [tilespmem:s11], [sflag:$0x1], $0x4000, $0x38;
	[tilespmem:$0x1CC00] =	vst v63  }
0x34: {  	_ =	swait.ge [sflag:s10], $0x4000  }
0x35: {  	[sflag:s10] =	ssyncset.done $0x0  }
0x36: {  	[sflag:s10] =	ssyncadd.s32 $0xFFFFC000  }
0x37: {  	_ =	sfence.sel $0x180000  }
0x38: {  	[bflag:$0x0] =	sbarrier.arrive $0xFFFF  }
0x39: {  	p0 =	sne.s32 s0, $0x0;
	_ =	strace $0x90000047  }
0x3a: {  	s0 =	sadd.s32 @!p0 $0x100000, s1;
	[bflag:$0x2] =	sbarrier.arrive $0xFFFF  }
0x3b: {  	[sflag:s0] =	ssyncadd.tile.s32 @!p0 $0x1;
	_ =	shalt  }
.Lfunc_end2:
_tile_overlayer_lowered:
.L_overlay_start_2:
0x3c: {  	(tag) =	ssettag $0x2  }
0x3d: {  	s0 =	rddreg [dreg:$0x0];
	s2 =	stileid.u32  }
0x3e: {  	s1 =	rddreg [dreg:$0x1];
	p0 =	sne.s32 s2, $0x0  }
0x3f: {  	s3 =	rddreg [dreg:$0x2];
	[bflag:$0x3] =	sbarrier.arrive $0xFFFF;
	s2 =	simm.s32 @!p0 $0x1C01  }
0x40: {  	[timem:s3], [sflag:s2] =	dma.local @!p0 [hbm:s0], s1  }
0x41: {  	s0 =	simm.s32 @!p0 $0x1  }
0x42: {  	_ =	swait.ge @!p0 [sflag:s0], s1  }
0x43: {  	s1 =	ssub.s32 @!p0 $0x0, s1;
	[sflag:s0] =	ssyncset.done @!p0 $0x0  }
0x44: {  	[sflag:s0] =	ssyncadd.s32 @!p0 s1  }
0x45: {  	[bflag:$0x3] =	sbarrier.arrive $0xFFFF  }
0x46: {  	_ =	shalt  }

// kernel: kernel.14.cloned.1.call-start
scs
__scs_entry_jumppad:
0x0: {  	(pc) =	sbr.rel $0x88, $3  }
0x1: {  	(tag) =	ssettag $0x0;
	lr =	simm.s32 $0x1  }
0x2: {  	[smem:$0x3F88] =	sst lr;
	_ =	strace $0xD0000000  }
0x3: {  	_ = 	snop  }
0x4: {  	_ = 	snop  }
0x5: {  	_ = 	snop  }
0x6: {  	_ = 	snop  }
0x7: {  	_ = 	snop  }
__scs_overlays_trampoline_lowered:
0x8: {  	[smem:$0x3F97] =	sst s0  }
0x9: {  	[smem:$0x3F98] =	sst s1  }
0xa: {  	[smem:$0x3F99] =	sst s2  }
0xb: {  	[smem:$0x3F9A] =	sst s3  }
0xc: {  	[smem:$0x3F9B] =	sst s4  }
0xd: {  	[smem:$0x3F9C] =	sst s5  }
0xe: {  	[smem:$0x3F9D] =	sst s6  }
0xf: {  	[smem:$0x3F9E] =	sst s7  }
0x10: {  	[smem:$0x3F9F] =	sst s8  }
0x11: {  	[smem:$0x3FA0] =	sst s9;
	s0 =	simm.s32 @!p0 $0x0  }
0x12: {  	s1 =	sld [smem:$0x3F86];
	s0 =	simm.s32 @p0 $0x1  }
0x13: {  	[smem:$0x3FA1] =	sst s0;
	s0 =	simm.s32 @!p1 $0x0  }
0x14: {  	s2 =	sld [smem:$0x3F85];
	s0 =	simm.s32 @p1 $0x1  }
0x15: {  	[smem:$0x3FA2] =	sst s0;
	s0 =	simm.s32 @!p2 $0x0  }
0x16: {  	s3 =	sld [smem:$0x3FDB];
	s0 =	simm.s32 @p2 $0x1  }
0x17: {  	s4 =	simm.s32 $0x1BF5;
	[smem:$0x3FA4] =	sst s0  }
0x18: {  	s0 =	sld [smem:$0x3F87];
	_ =	swait.ge [sflag:s4], $0x0  }
0x19: {  	s7 =	sld [smem:$0x3F88]  }
0x1a: {  	s8 =	sadd.s32 $0xFFFFE003, lr  }
0x1b: {  	s9 =	sadd.s32 $0xFFFFFEF7, lr;
	s5 =	simm.s32 $0xFFFFFFFF;
	p2 =	slt.u32 s8, $0xFFFFF086  }
0x1c: {  	p1 =	slt.u32 s9, $0xF7A;
	s5 =	simm.s32 @!p2 $0x0  }
0x1d: {  	s5 =	simm.s32 @p1 $0x1;
	p0 =	seq.s32 s7, s2  }
0x1e: {  	s7 =	smul.u32 @!p0 $0xF7A, s2;
	p2 =	seq.s32 @!p0 s5, $0x0  }
0x1f: {  	s9 =	smul.u32 $0xF7A, s1;
	s8 =	simm.s32 @!p0 $0x1BF5;
	p2 =	por !p2, p0  }
0x20: {  	[sflag:s8] =	ssyncset.s32 @!p0 $0xFFFFF086;
	s6 =	sadd.s32 @!p0 s3, s7;
	s7 =	simm.s32 @!p0 $0x108  }
0x21: {  	s3 =	sadd.s32 s3, s9;
	s6 =	sadd.s32 @!p0 $0x88, s6;
	s7 =	simm.s32 @p2 $0x1082  }
0x22: {  	[simem:s7], [sflag:s8] =	dma.local @!p0 [hbm:s6], $0xF7A  }
0x23: {  	s9 =	sor.u32 $0xD0000000, s2;
	s6 =	simm.s32 $0x108;
	_ =	swait.ge @!p0 [sflag:s8], $0x0  }
0x24: {  	s3 =	sadd.s32 $0x88, s3;
	s6 =	simm.s32 @!p1 $0x1082;
	[sflag:s4] =	ssyncset.s32 $0xFFFFF086  }
0x25: {  	[simem:s6], [sflag:s4] =	dma.local [hbm:s3], $0xF7A  }
0x26: {  	[smem:$0x3F88] =	sst s1;
	(tag) =	ssettag s2;
	_ =	strace s9  }
0x27: {  	s1 =	sld [smem:$0x3F98]  }
0x28: {  	s2 =	sld [smem:$0x3F99]  }
0x29: {  	s4 =	sld [smem:$0x3F9B]  }
0x2a: {  	p0 =	seq.s32 s5, $0x0;
	s5 =	sld [smem:$0x3F9C]  }
0x2b: {  	s6 =	sld [smem:$0x3F9D]  }
0x2c: {  	s7 =	sld [smem:$0x3F9E]  }
0x2d: {  	s3 =	simm.s32 $0x108;
	s8 =	sld [smem:$0x3F9F]  }
0x2e: {  	s3 =	simm.s32 @!p0 $0x1082;
	s9 =	sld [smem:$0x3FA0]  }
0x2f: {  	lr =	sadd.s32 s0, s3;
	s0 =	sld [smem:$0x3F97]  }
0x30: {  	s3 =	sld [smem:$0x3F9A]  }
0x31: {  	[smem:$0x3FA3] =	sst s10  }
0x32: {  	s10 =	sld [smem:$0x3FA1];
	_ =	sdelay $0x3  }
0x33: {  	p0 =	seq.s32 s10, $0x1;
	s10 =	sld [smem:$0x3FA3];
	_ =	sdelay $0x3  }
0x34: {  	[smem:$0x3FA3] =	sst s10  }
0x35: {  	s10 =	sld [smem:$0x3FA2];
	_ =	sdelay $0x3  }
0x36: {  	p1 =	seq.s32 s10, $0x1;
	s10 =	sld [smem:$0x3FA3];
	_ =	sdelay $0x3  }
0x37: {  	[smem:$0x3FA3] =	sst s10  }
0x38: {  	s10 =	sld [smem:$0x3FA4]  }
0x39: {  	_ = 	snop;
	(pc) =	sbr.ind lr, $3  }
0x3a: {  	_ = 	snop  }
0x3b: {  	_ = 	snop  }
0x3c: {  	p2 =	seq.s32 s10, $0x1;
	s10 =	sld [smem:$0x3FA3]  }
0x3d: {  	_ =	shalt  }
0x3e: {  	_ =	shalt  }
0x3f: {  	_ =	shalt  }
0x40: {  	_ =	shalt  }
0x41: {  	_ =	shalt  }
0x42: {  	_ =	shalt  }
0x43: {  	_ =	shalt  }
0x44: {  	_ =	shalt  }
0x45: {  	_ =	shalt  }
0x46: {  	_ =	shalt  }
0x47: {  	_ =	shalt  }
0x48: {  	_ =	shalt  }
0x49: {  	_ =	shalt  }
0x4a: {  	_ =	shalt  }
0x4b: {  	_ =	shalt  }
0x4c: {  	_ =	shalt  }
0x4d: {  	_ =	shalt  }
0x4e: {  	_ =	shalt  }
0x4f: {  	_ =	shalt  }
0x50: {  	_ =	shalt  }
0x51: {  	_ =	shalt  }
0x52: {  	_ =	shalt  }
0x53: {  	_ =	shalt  }
0x54: {  	_ =	shalt  }
0x55: {  	_ =	shalt  }
0x56: {  	_ =	shalt  }
0x57: {  	_ =	shalt  }
0x58: {  	_ =	shalt  }
0x59: {  	_ =	shalt  }
0x5a: {  	_ =	shalt  }
0x5b: {  	_ =	shalt  }
0x5c: {  	_ =	shalt  }
0x5d: {  	_ =	shalt  }
0x5e: {  	_ =	shalt  }
0x5f: {  	_ =	shalt  }
0x60: {  	_ =	shalt  }
0x61: {  	_ =	shalt  }
0x62: {  	_ =	shalt  }
0x63: {  	_ =	shalt  }
0x64: {  	_ =	shalt  }
0x65: {  	_ =	shalt  }
0x66: {  	_ =	shalt  }
0x67: {  	_ =	shalt  }
0x68: {  	_ =	shalt  }
0x69: {  	_ =	shalt  }
0x6a: {  	_ =	shalt  }
0x6b: {  	_ =	shalt  }
0x6c: {  	_ =	shalt  }
0x6d: {  	_ =	shalt  }
0x6e: {  	_ =	shalt  }
0x6f: {  	_ =	shalt  }
0x70: {  	_ =	shalt  }
0x71: {  	_ =	shalt  }
0x72: {  	_ =	shalt  }
0x73: {  	_ =	shalt  }
0x74: {  	_ =	shalt  }
0x75: {  	_ =	shalt  }
0x76: {  	_ =	shalt  }
0x77: {  	_ =	shalt  }
0x78: {  	_ =	shalt  }
0x79: {  	_ =	shalt  }
0x7a: {  	_ =	shalt  }
0x7b: {  	_ =	shalt  }
0x7c: {  	_ =	shalt  }
0x7d: {  	_ =	shalt  }
0x7e: {  	_ =	shalt  }
0x7f: {  	_ =	shalt  }
0x80: {  	_ =	shalt  }
0x81: {  	_ =	shalt  }
0x82: {  	_ =	shalt  }
0x83: {  	_ =	shalt  }
0x84: {  	_ =	shalt  }
0x85: {  	_ =	shalt  }
0x86: {  	_ =	shalt  }
0x87: {  	_ =	shalt  }
.Lfunc_end0:
.L_simem_size_0:
called_computation.1_lowered:
.L_overlay_start_0:
0x88: {  	s2 =	sld [smem:$0x3FD9]  }
0x89: {  	s3 =	sld [smem:$0x3FFE];
	_ =	sdelay $0x1  }
0x8a: {  	s1 =	srdreg.scid  }
0x8b: {  	s0 =	sand.u32 $0x1, s1  }
0x8c: {  	s17 =	sshll.u32 s0, $0xA;
	s2 =	sadd.s32 s3, s2  }
0x8d: {  	s2 =	sadd.s32 s2, s17  }
0x8e: {  	[smem:$0x3FAF] =	sst s2  }
0x8f: {  	_ = 	snop  }
0x90: {  	(tm) =	ssettm $0x1  }
0x91: {  	s18 =	sld [smem:$0x3FFB];
	_ =	sdelay $0x3  }
0x92: {  	_ =	strace s18  }
0x93: {  	s2 =	sld [smem:$0x3FFC];
	_ =	sdelay $0x3  }
0x94: {  	_ =	strace s2  }
0x95: {  	s2 =	sld [smem:$0x3FFD];
	_ =	sdelay $0x3  }
0x96: {  	_ =	strace s2  }
0x97: {  	_ =	strace $0x8FFFFFFF  }
0x98: {  	s19 =	sld [smem:$0x3FDB];
	_ =	sdelay $0x1  }
0x99: {  	s20 =	simm.s32 $_scs_section_size  }
0x9a: {  	s4 =	simm.s32 $_size__tile_overlayer_lowered;
	s5 =	simm.s32 $_tile_overlayer_lowered  }
0x9b: {  	s6 =	simm.s32 $0x1BFF;
	s21 =	sshll.u32 s5, $0x1;
	s3 =	sadd.s32 s20, s19  }
0x9c: {  	s22 =	simm.s32 $0x0;
	s4 =	sshll.u32 s4, $0x1;
	s5 =	sadd.s32 s21, s3  }
0x9d: {  	[timem:s22], [sflag:s6] =	dma.local [hbm:s5], s4  }
0x9e: {  	_ =	swait.ge [sflag:s6], s4  }
0x9f: {  	s4 =	ssub.s32 $0x0, s4;
	[sflag:s6] =	ssyncset.done $0x0  }
0xa0: {  	[sflag:s6] =	ssyncadd.s32 s4;
	_ =	sdelay $0x1  }
0xa1: {  	s23 =	simm.s32 $0x1B8B  }
0xa2: {  	_ =	swait.ge [sflag:s23], $0x1  }
0xa3: {  	[sflag:s23] =	ssyncset.done $0x0  }
0xa4: {  	[sflag:s23] =	ssyncadd.s32 $0xFFFFFFFF  }
0xa5: {  	s4 =	sld [smem:$0x0]  }
0xa6: {  	s5 =	sand.u32 $0xFFFFFFFE, s1  }
0xa7: {  	p0 =	sne.s32 s1, s5  }
0xa8: {  	s5 =	sshll.u32 @p0 s5, $0xE  }
0xa9: {  	s5 =	sadd.s32 @p0 $0x11B8D, s5;
	s6 =	sshll.u32 @p0 s4, $0x11  }
0xaa: {  	s5 =	sor.u32 @p0 s6, s5  }
0xab: {  	[sflag:s5] =	ssyncadd.remote.s32 @p0 $0x1;
	_ =	sdelay $0x1  }
0xac: {  	s5 =	simm.s32 @p0 $0x1B8D  }
0xad: {  	_ =	swait.eq @p0 [sflag:s5], $0x1  }
0xae: {  	[sflag:s5] =	ssyncadd.s32 @p0 $0xFFFFFFFF  }
0xaf: {  	s6 =	sshll.u32 @!p0 s1, $0xE  }
0xb0: {  	s6 =	sor.u32 @!p0 $0x4000, s6;
	s5 =	simm.s32 @!p0 $0x1B8D  }
0xb1: {  	s4 =	sshll.u32 @!p0 s4, $0x11;
	s6 =	sadd.s32 @!p0 $0x11B8D, s6;
	_ =	swait.eq @!p0 [sflag:s5], $0x1  }
0xb2: {  	s4 =	sor.u32 @!p0 s4, s6;
	[sflag:s5] =	ssyncadd.s32 @!p0 $0xFFFFFFFF  }
0xb3: {  	s25 =	simm.s32 $0x1B8E;
	s24 =	sld [smem:$0x3FFE];
	[sflag:s4] =	ssyncadd.remote.s32 @!p0 $0x1  }
0xb4: {  	s26 =	simm.s32 $execute0_lowered;
	[smem:$0x3FD2] =	sst s25  }
0xb5: {  	s5 =	sshll.u32 s26, $0x1;
	_ =	strace $0x80000049;
	[dreg:$0x1] =	wrdreg $0xFFFFFFFF  }
0xb6: {  	s28 =	simm.s32 $_size_execute0_lowered;
	s3 =	sadd.s32 s3, s5;
	[dreg:$0x0] =	wrdreg $0x0  }
0xb7: {  	s5 =	sshll.u32 s28, $0x1;
	[dreg:$0x2] =	wrdreg s3  }
0xb8: {  	[dreg:$0x3] =	wrdreg s5  }
0xb9: {  	[dreg:$0x4] =	wrdreg $0xC0  }
0xba: {  	_ =	task [dreg:s22], $0x5FFFF  }
0xbb: {  	[dreg:$0x1] =	wrdreg $0xFFFFFFFF  }
0xbc: {  	[dreg:$0x0] =	wrdreg $0x60  }
0xbd: {  	[dreg:$0x2] =	wrdreg s24  }
0xbe: {  	[dreg:$0x3] =	wrdreg $0x44000  }
0xbf: {  	[dreg:$0x4] =	wrdreg $0xA  }
0xc0: {  	_ =	task.clear_ibuf [dreg:s22], $0x5FFFF;
	_ =	strace $0x90000049  }
0xc1: {  	s29 =	simm.s32 $0xA;
	_ =	strace $0x8000004B  }
0xc2: {  	_ =	swait.ge [sflag:s29], $0x1  }
0xc3: {  	[sflag:s29] =	ssyncadd.s32 $0xFFFFFFFF  }
0xc4: {  	_ =	strace $0x9000004B  }
0xc5: {  	_ =	sfence  }
0xc6: {  	s30 =	sld [smem:$0x0];
	_ =	sdelay $0x2  }
0xc7: {  	s31 =	sshll.u32 s1, $0xD;
	s1 =	sshrl.u32 s1, $0x2  }
0xc8: {  	s4 =	sand.u32 $0x4000, s31;
	s1 =	sadd.s32 s1, s30  }
0xc9: {  	s0 =	sor.u32 s4, s0;
	s1 =	sshll.u32 s1, $0x11  }
0xca: {  	s0 =	sor.u32 s1, s0  }
0xcb: {  	s0 =	sadd.s32 $0x8F2B, s0  }
0xcc: {  	[sflag:s0] =	ssyncadd.remote.s32 $0x1  }
0xcd: {  	_ =	sfence.sel $0xFFFF  }
0xce: {  	[dreg:$0x0] =	wrdreg $0xFFFFFFFF;
	(pc) =	sbr.abs _section_cstart, $3  }
0xcf: {  	[dreg:$0x1] =	wrdreg $0xFFFFFFFF  }
0xd0: {  	_ =	task.clear_ibuf [dreg:s22], $0x2FFFF;
	_ =	strace $0x9FFFFFFF  }
0xd1: {  	(tm) =	ssettm $0x7FFFFFFF  }
tec
execute0_lowered:
.L_overlay_start_1:
0x0: {  	(tag) =	ssettag $0x1  }
0x1: {  	s4 =	rddreg [dreg:$0x0];
	s0 =	stileid.u32  }
0x2: {  	s1 =	srdreg.scid;
	s2 =	rddreg [dreg:$0x1]  }
0x3: {  	s3 =	simm.s32 $0x0;
	s12 =	simm.s32 $0x0;
	s5 =	smul.u32 $0x18800, s0  }
0x4: {  	s6 =	sand.u32 $0x1, s1;
	s1 =	rddreg [dreg:$0x2];
	s30 =	smul.u32 $0x31000, s0  }
0x5: {  	[smem:$0x7FF] =	sst s3;
	s31 =	sshll.u32 s0, $0x6;
	s7 =	smul.u32 $0x188000, s6  }
0x6: {  	_ =	strace $0x8000004A;
	s9 =	smul.u32 $0x310000, s6;
	s6 =	ssub.s32 $0x2, s6  }
0x7: {  	s8 =	sshrl.u32 s5, $0x3;
	s29 =	sshrl.u32 s6, $0x1;
	s11 =	sadd.s32 s5, s2  }
0x8: {  	s7 =	sadd.s32 s5, s7;
	s8 =	sadd.s32 s8, s4;
	s9 =	sadd.s32 s9, s4  }
0x9: {  	s6 =	ssub.s32 s6, s29;
	s5 =	sor.u32 $0x1C01, s31;
	s7 =	sshrl.u32 s7, $0x3  }
0xa: {  	s6 =	smax.u32 s6, $0x1;
	s10 =	sadd.s32 s7, s4;
	s4 =	sadd.s32 $0x67400, s8  }
0xb: {  	s7 =	sadd.s32 s30, s9;
	s9 =	sshrl.u32 s11, $0x3;
	s11 =	simm.s32 $0x400  }
0xc: {  	s7 =	sadd.s32 $0x77C400, s7;
	s8 =	sadd.s32 $0x71A400, s10;
	s10 =	simm.s32 $0x1  }
.LBB2_1:
0xd: {  	[spmem:s9], [sflag:s5] =	dma.local [hbm:s4], $0x3100  }
0xe: {  	_ =	swait.ge [sflag:s10], $0x3100  }
0xf: {  	[sflag:s10] =	ssyncset.done $0x0  }
0x10: {  	[sflag:s10] =	ssyncadd.s32 $0xFFFFCF00  }
0x11: {  	s13 =	sadd.s32 $0x0, s8;
	[bflag:$0x0] =	sbarrier.arrive $0xFFFF  }
0x12: {  	[tilespmem:s3], [sflag:$0x1] =	stream.linear.gather [hbm4b:s13+s3], $0x400, $0x38;
	[tilespmem:$0x1CC00] =	vst v63  }
0x13: {  	_ =	swait.ge [sflag:s10], $0x400  }
0x14: {  	[sflag:s10] =	ssyncset.done $0x0  }
0x15: {  	[sflag:s10] =	ssyncadd.s32 $0xFFFFFC00  }
0x16: {  	[tilespmem:s11], [sflag:$0x1] =	stream.indirect.gather [spmem:s2], $0x10, s3, s11, $0xb8;
	[tilespmem:$0x1CC00] =	vst v63  }
0x17: {  	_ =	swait.ge [sflag:s10], $0x4000  }
0x18: {  	[sflag:s10] =	ssyncset.done $0x0  }
0x19: {  	[sflag:s10] =	ssyncadd.s32 $0xFFFFC000  }
0x1a: {  	[hbm4b:s7+s3] =	stream.linear.scatter [tilespmem:s11], [sflag:$0x1], $0x4000, $0x38;
	[tilespmem:$0x1CC00] =	vst v63  }
0x1b: {  	s14 =	simm.s32 $0x80;
	_ =	swait.ge [sflag:s10], $0x4000  }
0x1c: {  	s15 =	simm.s32 $0x100;
	s13 =	sadd.s32 $0x800, s7;
	[sflag:s10] =	ssyncset.done $0x0  }
.LBB2_2:
0x1d: {  	s16 =	sadd.s32 s14, s8  }
0x1e: {  	[sflag:s10] =	ssyncadd.s32 $0xFFFFC000;
	s14 =	smov.u32 s15;
	s17 =	sadd.s32 $0x80, s15  }
0x1f: {  	[tilespmem:s3], [sflag:$0x1] =	stream.linear.gather [hbm4b:s16+s3], $0x400, $0x38;
	[tilespmem:$0x1CC00] =	vst v63  }
0x20: {  	p0 =	sne.s32 s15, $0x3080;
	_ =	swait.ge [sflag:s10], $0x400  }
0x21: {  	[sflag:s10] =	ssyncset.done $0x0  }
0x22: {  	[sflag:s10] =	ssyncadd.s32 $0xFFFFFC00  }
0x23: {  	[tilespmem:s11], [sflag:$0x1] =	stream.indirect.gather [spmem:s2], $0x10, s3, s11, $0xb8;
	[tilespmem:$0x1CC00] =	vst v63  }
0x24: {  	_ =	swait.ge [sflag:s10], $0x4000  }
.Ltmp0:
0x25: {  	[sflag:s10] =	ssyncset.done $0x0;
	(pc) =	sbr.rel @p0 .LBB2_2-.Ltmp0, $4  }
0x26: {  	[sflag:s10] =	ssyncadd.s32 $0xFFFFC000  }
0x27: {  	[hbm4b:s13+s3] =	stream.linear.scatter [tilespmem:s11], [sflag:$0x1], $0x4000, $0x38;
	[tilespmem:$0x1CC00] =	vst v63  }
0x28: {  	_ =	swait.ge [sflag:s10], $0x4000  }
0x29: {  	s15 =	smov.u32 s17;
	s13 =	sadd.s32 $0x800, s13;
	[sflag:s10] =	ssyncset.done $0x0  }
0x2a: {  	s14 =	sadd.s32 s14, s8;
	[sflag:s10] =	ssyncadd.s32 $0xFFFFC000  }
0x2b: {  	[tilespmem:s3], [sflag:$0x1] =	stream.linear.gather [hbm4b:s14+s3], $0x400, $0x38;
	[tilespmem:$0x1CC00] =	vst v63  }
0x2c: {  	_ =	swait.ge [sflag:s10], $0x400  }
0x2d: {  	[sflag:s10] =	ssyncset.done $0x0  }
0x2e: {  	[sflag:s10] =	ssyncadd.s32 $0xFFFFFC00  }
0x2f: {  	[tilespmem:s11], [sflag:$0x1] =	stream.indirect.gather [spmem:s2], $0x10, s3, s11, $0xb8;
	[tilespmem:$0x1CC00] =	vst v63  }
0x30: {  	s12 =	sadd.s32 $0x1, s12;
	_ =	swait.ge [sflag:s10], $0x4000  }
0x31: {  	p0 =	sne.s32 s12, s6;
	[sflag:s10] =	ssyncset.done $0x0  }
.Ltmp1:
0x32: {  	[sflag:s10] =	ssyncadd.s32 $0xFFFFC000;
	(pc) =	sbr.rel @p0 .LBB2_1-.Ltmp1, $4  }
0x33: {  	[hbm4b:s13+s3] =	stream.linear.scatter [tilespmem:s11], [sflag:$0x1], $0x4000, $0x38;
	[tilespmem:$0x1CC00] =	vst v63  }
0x34: {  	_ =	swait.ge [sflag:s10], $0x4000  }
0x35: {  	[sflag:s10] =	ssyncset.done $0x0  }
0x36: {  	[sflag:s10] =	ssyncadd.s32 $0xFFFFC000  }
0x37: {  	_ =	sfence.sel $0x180000  }
0x38: {  	[bflag:$0x0] =	sbarrier.arrive $0xFFFF  }
0x39: {  	p0 =	sne.s32 s0, $0x0;
	_ =	strace $0x9000004A  }
0x3a: {  	s0 =	sadd.s32 @!p0 $0x100000, s1;
	[bflag:$0x2] =	sbarrier.arrive $0xFFFF  }
0x3b: {  	[sflag:s0] =	ssyncadd.tile.s32 @!p0 $0x1;
	_ =	shalt  }
.Lfunc_end2:
_tile_overlayer_lowered:
.L_overlay_start_2:
0x3c: {  	(tag) =	ssettag $0x2  }
0x3d: {  	s0 =	rddreg [dreg:$0x0];
	s2 =	stileid.u32  }
0x3e: {  	s1 =	rddreg [dreg:$0x1];
	p0 =	sne.s32 s2, $0x0  }
0x3f: {  	s3 =	rddreg [dreg:$0x2];
	[bflag:$0x3] =	sbarrier.arrive $0xFFFF;
	s2 =	simm.s32 @!p0 $0x1C01  }
0x40: {  	[timem:s3], [sflag:s2] =	dma.local @!p0 [hbm:s0], s1  }
0x41: {  	s0 =	simm.s32 @!p0 $0x1  }
0x42: {  	_ =	swait.ge @!p0 [sflag:s0], s1  }
0x43: {  	s1 =	ssub.s32 @!p0 $0x0, s1;
	[sflag:s0] =	ssyncset.done @!p0 $0x0  }
0x44: {  	[sflag:s0] =	ssyncadd.s32 @!p0 s1  }
0x45: {  	[bflag:$0x3] =	sbarrier.arrive $0xFFFF  }
0x46: {  	_ =	shalt  }

// kernel: kernel.17.cloned.1.call-start
scs
__scs_entry_jumppad:
0x0: {  	(pc) =	sbr.rel $0x88, $3  }
0x1: {  	(tag) =	ssettag $0x0;
	lr =	simm.s32 $0x1  }
0x2: {  	[smem:$0x3F88] =	sst lr;
	_ =	strace $0xD0000000  }
0x3: {  	_ = 	snop  }
0x4: {  	_ = 	snop  }
0x5: {  	_ = 	snop  }
0x6: {  	_ = 	snop  }
0x7: {  	_ = 	snop  }
__scs_overlays_trampoline_lowered:
0x8: {  	[smem:$0x3F97] =	sst s0  }
0x9: {  	[smem:$0x3F98] =	sst s1  }
0xa: {  	[smem:$0x3F99] =	sst s2  }
0xb: {  	[smem:$0x3F9A] =	sst s3  }
0xc: {  	[smem:$0x3F9B] =	sst s4  }
0xd: {  	[smem:$0x3F9C] =	sst s5  }
0xe: {  	[smem:$0x3F9D] =	sst s6  }
0xf: {  	[smem:$0x3F9E] =	sst s7  }
0x10: {  	[smem:$0x3F9F] =	sst s8  }
0x11: {  	[smem:$0x3FA0] =	sst s9;
	s0 =	simm.s32 @!p0 $0x0  }
0x12: {  	s1 =	sld [smem:$0x3F86];
	s0 =	simm.s32 @p0 $0x1  }
0x13: {  	[smem:$0x3FA1] =	sst s0;
	s0 =	simm.s32 @!p1 $0x0  }
0x14: {  	s2 =	sld [smem:$0x3F85];
	s0 =	simm.s32 @p1 $0x1  }
0x15: {  	[smem:$0x3FA2] =	sst s0;
	s0 =	simm.s32 @!p2 $0x0  }
0x16: {  	s3 =	sld [smem:$0x3FDB];
	s0 =	simm.s32 @p2 $0x1  }
0x17: {  	s4 =	simm.s32 $0x1BF5;
	[smem:$0x3FA4] =	sst s0  }
0x18: {  	s0 =	sld [smem:$0x3F87];
	_ =	swait.ge [sflag:s4], $0x0  }
0x19: {  	s7 =	sld [smem:$0x3F88]  }
0x1a: {  	s8 =	sadd.s32 $0xFFFFE003, lr  }
0x1b: {  	s9 =	sadd.s32 $0xFFFFFEF7, lr;
	s5 =	simm.s32 $0xFFFFFFFF;
	p2 =	slt.u32 s8, $0xFFFFF086  }
0x1c: {  	p1 =	slt.u32 s9, $0xF7A;
	s5 =	simm.s32 @!p2 $0x0  }
0x1d: {  	s5 =	simm.s32 @p1 $0x1;
	p0 =	seq.s32 s7, s2  }
0x1e: {  	s7 =	smul.u32 @!p0 $0xF7A, s2;
	p2 =	seq.s32 @!p0 s5, $0x0  }
0x1f: {  	s9 =	smul.u32 $0xF7A, s1;
	s8 =	simm.s32 @!p0 $0x1BF5;
	p2 =	por !p2, p0  }
0x20: {  	[sflag:s8] =	ssyncset.s32 @!p0 $0xFFFFF086;
	s6 =	sadd.s32 @!p0 s3, s7;
	s7 =	simm.s32 @!p0 $0x108  }
0x21: {  	s3 =	sadd.s32 s3, s9;
	s6 =	sadd.s32 @!p0 $0x88, s6;
	s7 =	simm.s32 @p2 $0x1082  }
0x22: {  	[simem:s7], [sflag:s8] =	dma.local @!p0 [hbm:s6], $0xF7A  }
0x23: {  	s9 =	sor.u32 $0xD0000000, s2;
	s6 =	simm.s32 $0x108;
	_ =	swait.ge @!p0 [sflag:s8], $0x0  }
0x24: {  	s3 =	sadd.s32 $0x88, s3;
	s6 =	simm.s32 @!p1 $0x1082;
	[sflag:s4] =	ssyncset.s32 $0xFFFFF086  }
0x25: {  	[simem:s6], [sflag:s4] =	dma.local [hbm:s3], $0xF7A  }
0x26: {  	[smem:$0x3F88] =	sst s1;
	(tag) =	ssettag s2;
	_ =	strace s9  }
0x27: {  	s1 =	sld [smem:$0x3F98]  }
0x28: {  	s2 =	sld [smem:$0x3F99]  }
0x29: {  	s4 =	sld [smem:$0x3F9B]  }
0x2a: {  	p0 =	seq.s32 s5, $0x0;
	s5 =	sld [smem:$0x3F9C]  }
0x2b: {  	s6 =	sld [smem:$0x3F9D]  }
0x2c: {  	s7 =	sld [smem:$0x3F9E]  }
0x2d: {  	s3 =	simm.s32 $0x108;
	s8 =	sld [smem:$0x3F9F]  }
0x2e: {  	s3 =	simm.s32 @!p0 $0x1082;
	s9 =	sld [smem:$0x3FA0]  }
0x2f: {  	lr =	sadd.s32 s0, s3;
	s0 =	sld [smem:$0x3F97]  }
0x30: {  	s3 =	sld [smem:$0x3F9A]  }
0x31: {  	[smem:$0x3FA3] =	sst s10  }
0x32: {  	s10 =	sld [smem:$0x3FA1];
	_ =	sdelay $0x3  }
0x33: {  	p0 =	seq.s32 s10, $0x1;
	s10 =	sld [smem:$0x3FA3];
	_ =	sdelay $0x3  }
0x34: {  	[smem:$0x3FA3] =	sst s10  }
0x35: {  	s10 =	sld [smem:$0x3FA2];
	_ =	sdelay $0x3  }
0x36: {  	p1 =	seq.s32 s10, $0x1;
	s10 =	sld [smem:$0x3FA3];
	_ =	sdelay $0x3  }
0x37: {  	[smem:$0x3FA3] =	sst s10  }
0x38: {  	s10 =	sld [smem:$0x3FA4]  }
0x39: {  	_ = 	snop;
	(pc) =	sbr.ind lr, $3  }
0x3a: {  	_ = 	snop  }
0x3b: {  	_ = 	snop  }
0x3c: {  	p2 =	seq.s32 s10, $0x1;
	s10 =	sld [smem:$0x3FA3]  }
0x3d: {  	_ =	shalt  }
0x3e: {  	_ =	shalt  }
0x3f: {  	_ =	shalt  }
0x40: {  	_ =	shalt  }
0x41: {  	_ =	shalt  }
0x42: {  	_ =	shalt  }
0x43: {  	_ =	shalt  }
0x44: {  	_ =	shalt  }
0x45: {  	_ =	shalt  }
0x46: {  	_ =	shalt  }
0x47: {  	_ =	shalt  }
0x48: {  	_ =	shalt  }
0x49: {  	_ =	shalt  }
0x4a: {  	_ =	shalt  }
0x4b: {  	_ =	shalt  }
0x4c: {  	_ =	shalt  }
0x4d: {  	_ =	shalt  }
0x4e: {  	_ =	shalt  }
0x4f: {  	_ =	shalt  }
0x50: {  	_ =	shalt  }
0x51: {  	_ =	shalt  }
0x52: {  	_ =	shalt  }
0x53: {  	_ =	shalt  }
0x54: {  	_ =	shalt  }
0x55: {  	_ =	shalt  }
0x56: {  	_ =	shalt  }
0x57: {  	_ =	shalt  }
0x58: {  	_ =	shalt  }
0x59: {  	_ =	shalt  }
0x5a: {  	_ =	shalt  }
0x5b: {  	_ =	shalt  }
0x5c: {  	_ =	shalt  }
0x5d: {  	_ =	shalt  }
0x5e: {  	_ =	shalt  }
0x5f: {  	_ =	shalt  }
0x60: {  	_ =	shalt  }
0x61: {  	_ =	shalt  }
0x62: {  	_ =	shalt  }
0x63: {  	_ =	shalt  }
0x64: {  	_ =	shalt  }
0x65: {  	_ =	shalt  }
0x66: {  	_ =	shalt  }
0x67: {  	_ =	shalt  }
0x68: {  	_ =	shalt  }
0x69: {  	_ =	shalt  }
0x6a: {  	_ =	shalt  }
0x6b: {  	_ =	shalt  }
0x6c: {  	_ =	shalt  }
0x6d: {  	_ =	shalt  }
0x6e: {  	_ =	shalt  }
0x6f: {  	_ =	shalt  }
0x70: {  	_ =	shalt  }
0x71: {  	_ =	shalt  }
0x72: {  	_ =	shalt  }
0x73: {  	_ =	shalt  }
0x74: {  	_ =	shalt  }
0x75: {  	_ =	shalt  }
0x76: {  	_ =	shalt  }
0x77: {  	_ =	shalt  }
0x78: {  	_ =	shalt  }
0x79: {  	_ =	shalt  }
0x7a: {  	_ =	shalt  }
0x7b: {  	_ =	shalt  }
0x7c: {  	_ =	shalt  }
0x7d: {  	_ =	shalt  }
0x7e: {  	_ =	shalt  }
0x7f: {  	_ =	shalt  }
0x80: {  	_ =	shalt  }
0x81: {  	_ =	shalt  }
0x82: {  	_ =	shalt  }
0x83: {  	_ =	shalt  }
0x84: {  	_ =	shalt  }
0x85: {  	_ =	shalt  }
0x86: {  	_ =	shalt  }
0x87: {  	_ =	shalt  }
.Lfunc_end0:
.L_simem_size_0:
called_computation.2_lowered:
.L_overlay_start_0:
0x88: {  	s2 =	sld [smem:$0x3FD9]  }
0x89: {  	s3 =	sld [smem:$0x3FFE];
	_ =	sdelay $0x1  }
0x8a: {  	s1 =	srdreg.scid  }
0x8b: {  	s0 =	sand.u32 $0x1, s1  }
0x8c: {  	s16 =	sshll.u32 s0, $0xA;
	s2 =	sadd.s32 s3, s2  }
0x8d: {  	s2 =	sadd.s32 s2, s16  }
0x8e: {  	[smem:$0x3FAF] =	sst s2  }
0x8f: {  	_ = 	snop  }
0x90: {  	(tm) =	ssettm $0x1  }
0x91: {  	s17 =	sld [smem:$0x3FFB];
	_ =	sdelay $0x3  }
0x92: {  	_ =	strace s17  }
0x93: {  	s2 =	sld [smem:$0x3FFC];
	_ =	sdelay $0x3  }
0x94: {  	_ =	strace s2  }
0x95: {  	s2 =	sld [smem:$0x3FFD];
	_ =	sdelay $0x3  }
0x96: {  	_ =	strace s2  }
0x97: {  	_ =	strace $0x8FFFFFFF  }
0x98: {  	s18 =	sld [smem:$0x3FDB];
	_ =	sdelay $0x1  }
0x99: {  	s19 =	simm.s32 $_scs_section_size  }
0x9a: {  	s4 =	simm.s32 $_size__tile_overlayer_lowered;
	s5 =	simm.s32 $_tile_overlayer_lowered  }
0x9b: {  	s22 =	simm.s32 $0x1BFF;
	s21 =	sshll.u32 s5, $0x1;
	s2 =	sadd.s32 s19, s18  }
0x9c: {  	s6 =	simm.s32 $0x0;
	s20 =	sshll.u32 s4, $0x1;
	s4 =	sadd.s32 s21, s2  }
0x9d: {  	[timem:s6], [sflag:s22] =	dma.local [hbm:s4], s20  }
0x9e: {  	_ =	swait.ge [sflag:s22], s20  }
0x9f: {  	s3 =	ssub.s32 $0x0, s20;
	[sflag:s22] =	ssyncset.done $0x0  }
0xa0: {  	[sflag:s22] =	ssyncadd.s32 s3;
	_ =	sdelay $0x1  }
0xa1: {  	s23 =	simm.s32 $0x1B8B  }
0xa2: {  	_ =	swait.ge [sflag:s23], $0x1  }
0xa3: {  	[sflag:s23] =	ssyncset.done $0x0  }
0xa4: {  	s25 =	simm.s32 $0x1B8E;
	s24 =	sld [smem:$0x3FFE];
	[sflag:s23] =	ssyncadd.s32 $0xFFFFFFFF  }
0xa5: {  	s26 =	simm.s32 $execute0_lowered;
	[smem:$0x3FD2] =	sst s25  }
0xa6: {  	s4 =	sshll.u32 s26, $0x1;
	_ =	strace $0x8000004C;
	[dreg:$0x1] =	wrdreg $0xFFFFFFFF  }
0xa7: {  	s28 =	simm.s32 $_size_execute0_lowered;
	s2 =	sadd.s32 s2, s4;
	[dreg:$0x0] =	wrdreg $0x0  }
0xa8: {  	s4 =	sshll.u32 s28, $0x1;
	[dreg:$0x2] =	wrdreg s2  }
0xa9: {  	[dreg:$0x3] =	wrdreg s4  }
0xaa: {  	[dreg:$0x4] =	wrdreg $0xC0  }
0xab: {  	_ =	task [dreg:s6], $0x5FFFF  }
0xac: {  	[dreg:$0x1] =	wrdreg $0xFFFFFFFF  }
0xad: {  	[dreg:$0x0] =	wrdreg $0x60  }
0xae: {  	[dreg:$0x2] =	wrdreg s24  }
0xaf: {  	[dreg:$0x3] =	wrdreg $0x44000  }
0xb0: {  	[dreg:$0x4] =	wrdreg $0x9  }
0xb1: {  	_ =	task.clear_ibuf [dreg:s6], $0x5FFFF;
	_ =	strace $0x9000004C  }
0xb2: {  	s29 =	simm.s32 $0x9;
	_ =	strace $0x8000004E  }
0xb3: {  	_ =	swait.ge [sflag:s29], $0x1  }
0xb4: {  	[sflag:s29] =	ssyncadd.s32 $0xFFFFFFFF  }
0xb5: {  	_ =	strace $0x9000004E  }
0xb6: {  	_ =	sfence  }
0xb7: {  	s30 =	sld [smem:$0x0];
	_ =	sdelay $0x2  }
0xb8: {  	s31 =	sshll.u32 s1, $0xD;
	s1 =	sshrl.u32 s1, $0x2  }
0xb9: {  	s3 =	sand.u32 $0x4000, s31;
	s1 =	sadd.s32 s1, s30  }
0xba: {  	s0 =	sor.u32 s3, s0;
	s1 =	sshll.u32 s1, $0x11  }
0xbb: {  	s0 =	sor.u32 s1, s0  }
0xbc: {  	s0 =	sadd.s32 $0x8F2B, s0  }
0xbd: {  	[sflag:s0] =	ssyncadd.remote.s32 $0x1  }
0xbe: {  	_ =	sfence.sel $0xFFFF  }
0xbf: {  	[dreg:$0x0] =	wrdreg $0xFFFFFFFF;
	(pc) =	sbr.abs _section_cstart, $3  }
0xc0: {  	[dreg:$0x1] =	wrdreg $0xFFFFFFFF  }
0xc1: {  	_ =	task.clear_ibuf [dreg:s6], $0x2FFFF;
	_ =	strace $0x9FFFFFFF  }
0xc2: {  	(tm) =	ssettm $0x7FFFFFFF  }
0xc3: {  	_ =	shalt  }
tec
execute0_lowered:
.L_overlay_start_1:
0x0: {  	(tag) =	ssettag $0x1  }
0x1: {  	s0 =	stileid.u32  }
0x2: {  	s6 =	smul.u32 $0x18800, s0  }
0x3: {  	s1 =	srdreg.scid;
	s9 =	smul.u32 $0x3100, s0  }
0x4: {  	s4 =	rddreg [dreg:$0x0];
	s5 =	sand.u32 $0x1, s1;
	s12 =	smul.u32 $0x31000, s0  }
0x5: {  	s2 =	rddreg [dreg:$0x1];
	s7 =	smul.u32 $0x188000, s5  }
0x6: {  	s3 =	simm.s32 $0x0;
	s1 =	rddreg [dreg:$0x2];
	s8 =	smul.u32 $0x310000, s5  }
0x7: {  	[smem:$0x7FF] =	sst s3;
	s31 =	sshll.u32 s0, $0x6;
	s10 =	smul.u32 $0x31000, s5  }
0x8: {  	_ =	strace $0x8000004D;
	s5 =	ssub.s32 $0x2, s5;
	s28 =	sshrl.u32 s6, $0x3  }
0x9: {  	s29 =	sshrl.u32 s5, $0x1;
	s13 =	sadd.s32 s6, s2;
	s7 =	sadd.s32 s6, s7  }
0xa: {  	s8 =	sadd.s32 s8, s4;
	s9 =	sadd.s32 s9, s10;
	s30 =	ssub.s32 s5, s29  }
0xb: {  	s5 =	sor.u32 $0x1C01, s31;
	s10 =	sshrl.u32 s13, $0x3;
	s13 =	simm.s32 $0x0  }
0xc: {  	s7 =	sshrl.u32 s7, $0x3;
	s9 =	sadd.s32 s9, s4;
	s8 =	sadd.s32 s12, s8  }
0xd: {  	s12 =	simm.s32 $0x400;
	s11 =	sadd.s32 s7, s4;
	s7 =	sadd.s32 s28, s4  }
0xe: {  	s6 =	sadd.s32 $0xFA400, s9;
	s8 =	sadd.s32 $0xD9C400, s8;
	s4 =	sadd.s32 $0x5800, s7  }
0xf: {  	s7 =	smax.u32 s30, $0x1;
	s9 =	sadd.s32 $0x98400, s11;
	s11 =	simm.s32 $0x1  }
.LBB2_1:
0x10: {  	[spmem:s10], [sflag:s5] =	dma.local [hbm:s4], $0x3100  }
0x11: {  	_ =	swait.ge [sflag:s11], $0x3100  }
0x12: {  	[sflag:s11] =	ssyncset.done $0x0  }
0x13: {  	[sflag:s11] =	ssyncadd.s32 $0xFFFFCF00  }
0x14: {  	s14 =	sadd.s32 $0x0, s9;
	[bflag:$0x0] =	sbarrier.arrive $0xFFFF  }
0x15: {  	[tilespmem:s3], [sflag:$0x1] =	stream.linear.gather [hbm4b:s14+s3], $0x400, $0x38;
	[tilespmem:$0x1CC00] =	vst v63  }
0x16: {  	_ =	swait.ge [sflag:s11], $0x400  }
0x17: {  	[sflag:s11] =	ssyncset.done $0x0  }
0x18: {  	[sflag:s11] =	ssyncadd.s32 $0xFFFFFC00  }
0x19: {  	[tilespmem:s12], [sflag:$0x1] =	stream.linear.gather [hbm4b:s8+s3], $0x4000, $0x38;
	[tilespmem:$0x1CC00] =	vst v63  }
0x1a: {  	_ =	swait.ge [sflag:s11], $0x4000  }
0x1b: {  	[sflag:s11] =	ssyncset.done $0x0  }
0x1c: {  	[sflag:s11] =	ssyncadd.s32 $0xFFFFC000  }
0x1d: {  	[spmem:s2] =	stream.indirect.scatter.add.f32 [tilespmem:s12], [sflag:$0x1], $0x10, s3, s12, $0xb8;
	[tilespmem:$0x1CC00] =	vst v63  }
0x1e: {  	s15 =	simm.s32 $0x80;
	_ =	swait.ge [sflag:s11], $0x4000  }
0x1f: {  	s16 =	simm.s32 $0x100;
	s14 =	sadd.s32 $0x800, s8;
	[sflag:s11] =	ssyncset.done $0x0  }
.LBB2_2:
0x20: {  	s17 =	sadd.s32 s15, s9  }
0x21: {  	[sflag:s11] =	ssyncadd.s32 $0xFFFFC000;
	s15 =	smov.u32 s16;
	s18 =	sadd.s32 $0x80, s16  }
0x22: {  	[tilespmem:s3], [sflag:$0x1] =	stream.linear.gather [hbm4b:s17+s3], $0x400, $0x38;
	[tilespmem:$0x1CC00] =	vst v63  }
0x23: {  	p0 =	sne.s32 s16, $0x3080;
	_ =	swait.ge [sflag:s11], $0x400  }
0x24: {  	[sflag:s11] =	ssyncset.done $0x0  }
0x25: {  	[sflag:s11] =	ssyncadd.s32 $0xFFFFFC00  }
0x26: {  	[tilespmem:s12], [sflag:$0x1] =	stream.linear.gather [hbm4b:s14+s3], $0x4000, $0x38;
	[tilespmem:$0x1CC00] =	vst v63  }
0x27: {  	_ =	swait.ge [sflag:s11], $0x4000  }
.Ltmp0:
0x28: {  	[sflag:s11] =	ssyncset.done $0x0;
	(pc) =	sbr.rel @p0 .LBB2_2-.Ltmp0, $4  }
0x29: {  	[sflag:s11] =	ssyncadd.s32 $0xFFFFC000  }
0x2a: {  	[spmem:s2] =	stream.indirect.scatter.add.f32 [tilespmem:s12], [sflag:$0x1], $0x10, s3, s12, $0xb8;
	[tilespmem:$0x1CC00] =	vst v63  }
0x2b: {  	_ =	swait.ge [sflag:s11], $0x4000  }
0x2c: {  	s16 =	smov.u32 s18;
	s14 =	sadd.s32 $0x800, s14;
	[sflag:s11] =	ssyncset.done $0x0  }
0x2d: {  	s15 =	sadd.s32 s15, s9;
	[sflag:s11] =	ssyncadd.s32 $0xFFFFC000  }
0x2e: {  	[tilespmem:s3], [sflag:$0x1] =	stream.linear.gather [hbm4b:s15+s3], $0x400, $0x38;
	[tilespmem:$0x1CC00] =	vst v63  }
0x2f: {  	_ =	swait.ge [sflag:s11], $0x400  }
0x30: {  	[sflag:s11] =	ssyncset.done $0x0  }
0x31: {  	[sflag:s11] =	ssyncadd.s32 $0xFFFFFC00  }
0x32: {  	[tilespmem:s12], [sflag:$0x1] =	stream.linear.gather [hbm4b:s14+s3], $0x4000, $0x38;
	[tilespmem:$0x1CC00] =	vst v63  }
0x33: {  	_ =	swait.ge [sflag:s11], $0x4000  }
0x34: {  	[sflag:s11] =	ssyncset.done $0x0  }
0x35: {  	[sflag:s11] =	ssyncadd.s32 $0xFFFFC000  }
0x36: {  	[spmem:s2] =	stream.indirect.scatter.add.f32 [tilespmem:s12], [sflag:$0x1], $0x10, s3, s12, $0xb8;
	[tilespmem:$0x1CC00] =	vst v63  }
0x37: {  	_ =	swait.ge [sflag:s11], $0x4000  }
0x38: {  	s13 =	sadd.s32 $0x1, s13;
	[sflag:s11] =	ssyncset.done $0x0  }
0x39: {  	p0 =	sne.s32 s13, s7;
	[sflag:s11] =	ssyncadd.s32 $0xFFFFC000  }
.Ltmp1:
0x3a: {  	[bflag:$0x0] =	sbarrier.arrive $0xFFFF;
	(pc) =	sbr.rel @p0 .LBB2_1-.Ltmp1, $4  }
0x3b: {  	[hbm:s6], [sflag:s5] =	dma.local [spmem:s10], $0x3100  }
0x3c: {  	_ =	swait.ge [sflag:s11], $0x3100  }
0x3d: {  	[sflag:s11] =	ssyncset.done $0x0  }
0x3e: {  	[sflag:s11] =	ssyncadd.s32 $0xFFFFCF00  }
0x3f: {  	_ =	sfence.sel $0x180000  }
0x40: {  	[bflag:$0x0] =	sbarrier.arrive $0xFFFF  }
0x41: {  	p0 =	sne.s32 s0, $0x0;
	_ =	strace $0x9000004D  }
0x42: {  	s0 =	sadd.s32 @!p0 $0x100000, s1;
	[bflag:$0x2] =	sbarrier.arrive $0xFFFF  }
0x43: {  	[sflag:s0] =	ssyncadd.tile.s32 @!p0 $0x1;
	_ =	shalt  }
.Lfunc_end2:
_tile_overlayer_lowered:
.L_overlay_start_2:
0x44: {  	(tag) =	ssettag $0x2  }
0x45: {  	s0 =	rddreg [dreg:$0x0];
	s2 =	stileid.u32  }
0x46: {  	s1 =	rddreg [dreg:$0x1];
	p0 =	sne.s32 s2, $0x0  }
0x47: {  	s3 =	rddreg [dreg:$0x2];
	[bflag:$0x3] =	sbarrier.arrive $0xFFFF;
	s2 =	simm.s32 @!p0 $0x1C01  }
0x48: {  	[timem:s3], [sflag:s2] =	dma.local @!p0 [hbm:s0], s1  }
0x49: {  	s0 =	simm.s32 @!p0 $0x1  }
0x4a: {  	_ =	swait.ge @!p0 [sflag:s0], s1  }
0x4b: {  	s1 =	ssub.s32 @!p0 $0x0, s1;
	[sflag:s0] =	ssyncset.done @!p0 $0x0  }
0x4c: {  	[sflag:s0] =	ssyncadd.s32 @!p0 s1  }
0x4d: {  	[bflag:$0x3] =	sbarrier.arrive $0xFFFF  }
0x4e: {  	_ =	shalt  }

// kernel: kernel.20.cloned.1.call-start
scs
__scs_entry_jumppad:
0x0: {  	(pc) =	sbr.rel $0x88, $3  }
0x1: {  	(tag) =	ssettag $0x0;
	lr =	simm.s32 $0x1  }
0x2: {  	[smem:$0x3F88] =	sst lr;
	_ =	strace $0xD0000000  }
0x3: {  	_ = 	snop  }
0x4: {  	_ = 	snop  }
0x5: {  	_ = 	snop  }
0x6: {  	_ = 	snop  }
0x7: {  	_ = 	snop  }
__scs_overlays_trampoline_lowered:
0x8: {  	[smem:$0x3F97] =	sst s0  }
0x9: {  	[smem:$0x3F98] =	sst s1  }
0xa: {  	[smem:$0x3F99] =	sst s2  }
0xb: {  	[smem:$0x3F9A] =	sst s3  }
0xc: {  	[smem:$0x3F9B] =	sst s4  }
0xd: {  	[smem:$0x3F9C] =	sst s5  }
0xe: {  	[smem:$0x3F9D] =	sst s6  }
0xf: {  	[smem:$0x3F9E] =	sst s7  }
0x10: {  	[smem:$0x3F9F] =	sst s8  }
0x11: {  	[smem:$0x3FA0] =	sst s9;
	s0 =	simm.s32 @!p0 $0x0  }
0x12: {  	s1 =	sld [smem:$0x3F86];
	s0 =	simm.s32 @p0 $0x1  }
0x13: {  	[smem:$0x3FA1] =	sst s0;
	s0 =	simm.s32 @!p1 $0x0  }
0x14: {  	s2 =	sld [smem:$0x3F85];
	s0 =	simm.s32 @p1 $0x1  }
0x15: {  	[smem:$0x3FA2] =	sst s0;
	s0 =	simm.s32 @!p2 $0x0  }
0x16: {  	s3 =	sld [smem:$0x3FDB];
	s0 =	simm.s32 @p2 $0x1  }
0x17: {  	s4 =	simm.s32 $0x1BF5;
	[smem:$0x3FA4] =	sst s0  }
0x18: {  	s0 =	sld [smem:$0x3F87];
	_ =	swait.ge [sflag:s4], $0x0  }
0x19: {  	s7 =	sld [smem:$0x3F88]  }
0x1a: {  	s8 =	sadd.s32 $0xFFFFE003, lr  }
0x1b: {  	s9 =	sadd.s32 $0xFFFFFEF7, lr;
	s5 =	simm.s32 $0xFFFFFFFF;
	p2 =	slt.u32 s8, $0xFFFFF086  }
0x1c: {  	p1 =	slt.u32 s9, $0xF7A;
	s5 =	simm.s32 @!p2 $0x0  }
0x1d: {  	s5 =	simm.s32 @p1 $0x1;
	p0 =	seq.s32 s7, s2  }
0x1e: {  	s7 =	smul.u32 @!p0 $0xF7A, s2;
	p2 =	seq.s32 @!p0 s5, $0x0  }
0x1f: {  	s9 =	smul.u32 $0xF7A, s1;
	s8 =	simm.s32 @!p0 $0x1BF5;
	p2 =	por !p2, p0  }
0x20: {  	[sflag:s8] =	ssyncset.s32 @!p0 $0xFFFFF086;
	s6 =	sadd.s32 @!p0 s3, s7;
	s7 =	simm.s32 @!p0 $0x108  }
0x21: {  	s3 =	sadd.s32 s3, s9;
	s6 =	sadd.s32 @!p0 $0x88, s6;
	s7 =	simm.s32 @p2 $0x1082  }
0x22: {  	[simem:s7], [sflag:s8] =	dma.local @!p0 [hbm:s6], $0xF7A  }
0x23: {  	s9 =	sor.u32 $0xD0000000, s2;
	s6 =	simm.s32 $0x108;
	_ =	swait.ge @!p0 [sflag:s8], $0x0  }
0x24: {  	s3 =	sadd.s32 $0x88, s3;
	s6 =	simm.s32 @!p1 $0x1082;
	[sflag:s4] =	ssyncset.s32 $0xFFFFF086  }
0x25: {  	[simem:s6], [sflag:s4] =	dma.local [hbm:s3], $0xF7A  }
0x26: {  	[smem:$0x3F88] =	sst s1;
	(tag) =	ssettag s2;
	_ =	strace s9  }
0x27: {  	s1 =	sld [smem:$0x3F98]  }
0x28: {  	s2 =	sld [smem:$0x3F99]  }
0x29: {  	s4 =	sld [smem:$0x3F9B]  }
0x2a: {  	p0 =	seq.s32 s5, $0x0;
	s5 =	sld [smem:$0x3F9C]  }
0x2b: {  	s6 =	sld [smem:$0x3F9D]  }
0x2c: {  	s7 =	sld [smem:$0x3F9E]  }
0x2d: {  	s3 =	simm.s32 $0x108;
	s8 =	sld [smem:$0x3F9F]  }
0x2e: {  	s3 =	simm.s32 @!p0 $0x1082;
	s9 =	sld [smem:$0x3FA0]  }
0x2f: {  	lr =	sadd.s32 s0, s3;
	s0 =	sld [smem:$0x3F97]  }
0x30: {  	s3 =	sld [smem:$0x3F9A]  }
0x31: {  	[smem:$0x3FA3] =	sst s10  }
0x32: {  	s10 =	sld [smem:$0x3FA1];
	_ =	sdelay $0x3  }
0x33: {  	p0 =	seq.s32 s10, $0x1;
	s10 =	sld [smem:$0x3FA3];
	_ =	sdelay $0x3  }
0x34: {  	[smem:$0x3FA3] =	sst s10  }
0x35: {  	s10 =	sld [smem:$0x3FA2];
	_ =	sdelay $0x3  }
0x36: {  	p1 =	seq.s32 s10, $0x1;
	s10 =	sld [smem:$0x3FA3];
	_ =	sdelay $0x3  }
0x37: {  	[smem:$0x3FA3] =	sst s10  }
0x38: {  	s10 =	sld [smem:$0x3FA4]  }
0x39: {  	_ = 	snop;
	(pc) =	sbr.ind lr, $3  }
0x3a: {  	_ = 	snop  }
0x3b: {  	_ = 	snop  }
0x3c: {  	p2 =	seq.s32 s10, $0x1;
	s10 =	sld [smem:$0x3FA3]  }
0x3d: {  	_ =	shalt  }
0x3e: {  	_ =	shalt  }
0x3f: {  	_ =	shalt  }
0x40: {  	_ =	shalt  }
0x41: {  	_ =	shalt  }
0x42: {  	_ =	shalt  }
0x43: {  	_ =	shalt  }
0x44: {  	_ =	shalt  }
0x45: {  	_ =	shalt  }
0x46: {  	_ =	shalt  }
0x47: {  	_ =	shalt  }
0x48: {  	_ =	shalt  }
0x49: {  	_ =	shalt  }
0x4a: {  	_ =	shalt  }
0x4b: {  	_ =	shalt  }
0x4c: {  	_ =	shalt  }
0x4d: {  	_ =	shalt  }
0x4e: {  	_ =	shalt  }
0x4f: {  	_ =	shalt  }
0x50: {  	_ =	shalt  }
0x51: {  	_ =	shalt  }
0x52: {  	_ =	shalt  }
0x53: {  	_ =	shalt  }
0x54: {  	_ =	shalt  }
0x55: {  	_ =	shalt  }
0x56: {  	_ =	shalt  }
0x57: {  	_ =	shalt  }
0x58: {  	_ =	shalt  }
0x59: {  	_ =	shalt  }
0x5a: {  	_ =	shalt  }
0x5b: {  	_ =	shalt  }
0x5c: {  	_ =	shalt  }
0x5d: {  	_ =	shalt  }
0x5e: {  	_ =	shalt  }
0x5f: {  	_ =	shalt  }
0x60: {  	_ =	shalt  }
0x61: {  	_ =	shalt  }
0x62: {  	_ =	shalt  }
0x63: {  	_ =	shalt  }
0x64: {  	_ =	shalt  }
0x65: {  	_ =	shalt  }
0x66: {  	_ =	shalt  }
0x67: {  	_ =	shalt  }
0x68: {  	_ =	shalt  }
0x69: {  	_ =	shalt  }
0x6a: {  	_ =	shalt  }
0x6b: {  	_ =	shalt  }
0x6c: {  	_ =	shalt  }
0x6d: {  	_ =	shalt  }
0x6e: {  	_ =	shalt  }
0x6f: {  	_ =	shalt  }
0x70: {  	_ =	shalt  }
0x71: {  	_ =	shalt  }
0x72: {  	_ =	shalt  }
0x73: {  	_ =	shalt  }
0x74: {  	_ =	shalt  }
0x75: {  	_ =	shalt  }
0x76: {  	_ =	shalt  }
0x77: {  	_ =	shalt  }
0x78: {  	_ =	shalt  }
0x79: {  	_ =	shalt  }
0x7a: {  	_ =	shalt  }
0x7b: {  	_ =	shalt  }
0x7c: {  	_ =	shalt  }
0x7d: {  	_ =	shalt  }
0x7e: {  	_ =	shalt  }
0x7f: {  	_ =	shalt  }
0x80: {  	_ =	shalt  }
0x81: {  	_ =	shalt  }
0x82: {  	_ =	shalt  }
0x83: {  	_ =	shalt  }
0x84: {  	_ =	shalt  }
0x85: {  	_ =	shalt  }
0x86: {  	_ =	shalt  }
0x87: {  	_ =	shalt  }
.Lfunc_end0:
.L_simem_size_0:
called_computation.3_lowered:
.L_overlay_start_0:
0x88: {  	s2 =	sld [smem:$0x3FD9]  }
0x89: {  	s3 =	sld [smem:$0x3FFE];
	_ =	sdelay $0x1  }
0x8a: {  	s1 =	srdreg.scid  }
0x8b: {  	s0 =	sand.u32 $0x1, s1  }
0x8c: {  	s16 =	sshll.u32 s0, $0xA;
	s2 =	sadd.s32 s3, s2  }
0x8d: {  	s2 =	sadd.s32 s2, s16  }
0x8e: {  	[smem:$0x3FAF] =	sst s2  }
0x8f: {  	_ = 	snop  }
0x90: {  	(tm) =	ssettm $0x1  }
0x91: {  	s17 =	sld [smem:$0x3FFB];
	_ =	sdelay $0x3  }
0x92: {  	_ =	strace s17  }
0x93: {  	s2 =	sld [smem:$0x3FFC];
	_ =	sdelay $0x3  }
0x94: {  	_ =	strace s2  }
0x95: {  	s2 =	sld [smem:$0x3FFD];
	_ =	sdelay $0x3  }
0x96: {  	_ =	strace s2  }
0x97: {  	_ =	strace $0x8FFFFFFF  }
0x98: {  	s18 =	sld [smem:$0x3FDB];
	_ =	sdelay $0x1  }
0x99: {  	s19 =	simm.s32 $_scs_section_size  }
0x9a: {  	s4 =	simm.s32 $_size__tile_overlayer_lowered;
	s5 =	simm.s32 $_tile_overlayer_lowered  }
0x9b: {  	s22 =	simm.s32 $0x1BFF;
	s21 =	sshll.u32 s5, $0x1;
	s2 =	sadd.s32 s19, s18  }
0x9c: {  	s6 =	simm.s32 $0x0;
	s20 =	sshll.u32 s4, $0x1;
	s4 =	sadd.s32 s21, s2  }
0x9d: {  	[timem:s6], [sflag:s22] =	dma.local [hbm:s4], s20  }
0x9e: {  	_ =	swait.ge [sflag:s22], s20  }
0x9f: {  	s3 =	ssub.s32 $0x0, s20;
	[sflag:s22] =	ssyncset.done $0x0  }
0xa0: {  	[sflag:s22] =	ssyncadd.s32 s3;
	_ =	sdelay $0x1  }
0xa1: {  	s23 =	simm.s32 $0x1B8B  }
0xa2: {  	_ =	swait.ge [sflag:s23], $0x1  }
0xa3: {  	[sflag:s23] =	ssyncset.done $0x0  }
0xa4: {  	s25 =	simm.s32 $0x1B8E;
	s24 =	sld [smem:$0x3FFE];
	[sflag:s23] =	ssyncadd.s32 $0xFFFFFFFF  }
0xa5: {  	s26 =	simm.s32 $execute0_lowered;
	[smem:$0x3FD2] =	sst s25  }
0xa6: {  	s4 =	sshll.u32 s26, $0x1;
	_ =	strace $0x8000004F;
	[dreg:$0x1] =	wrdreg $0xFFFFFFFF  }
0xa7: {  	s28 =	simm.s32 $_size_execute0_lowered;
	s2 =	sadd.s32 s2, s4;
	[dreg:$0x0] =	wrdreg $0x0  }
0xa8: {  	s4 =	sshll.u32 s28, $0x1;
	[dreg:$0x2] =	wrdreg s2  }
0xa9: {  	[dreg:$0x3] =	wrdreg s4  }
0xaa: {  	[dreg:$0x4] =	wrdreg $0xC0  }
0xab: {  	_ =	task [dreg:s6], $0x5FFFF  }
0xac: {  	[dreg:$0x1] =	wrdreg $0xFFFFFFFF  }
0xad: {  	[dreg:$0x0] =	wrdreg $0x60  }
0xae: {  	[dreg:$0x2] =	wrdreg s24  }
0xaf: {  	[dreg:$0x3] =	wrdreg $0x44000  }
0xb0: {  	[dreg:$0x4] =	wrdreg $0x9  }
0xb1: {  	_ =	task.clear_ibuf [dreg:s6], $0x5FFFF;
	_ =	strace $0x9000004F  }
0xb2: {  	s29 =	simm.s32 $0x9;
	_ =	strace $0x80000051  }
0xb3: {  	_ =	swait.ge [sflag:s29], $0x1  }
0xb4: {  	[sflag:s29] =	ssyncadd.s32 $0xFFFFFFFF  }
0xb5: {  	_ =	strace $0x90000051  }
0xb6: {  	_ =	sfence  }
0xb7: {  	s30 =	sld [smem:$0x0];
	_ =	sdelay $0x2  }
0xb8: {  	s31 =	sshll.u32 s1, $0xD;
	s1 =	sshrl.u32 s1, $0x2  }
0xb9: {  	s3 =	sand.u32 $0x4000, s31;
	s1 =	sadd.s32 s1, s30  }
0xba: {  	s0 =	sor.u32 s3, s0;
	s1 =	sshll.u32 s1, $0x11  }
0xbb: {  	s0 =	sor.u32 s1, s0  }
0xbc: {  	s0 =	sadd.s32 $0x8F2B, s0  }
0xbd: {  	[sflag:s0] =	ssyncadd.remote.s32 $0x1  }
0xbe: {  	_ =	sfence.sel $0xFFFF  }
0xbf: {  	[dreg:$0x0] =	wrdreg $0xFFFFFFFF;
	(pc) =	sbr.abs _section_cstart, $3  }
0xc0: {  	[dreg:$0x1] =	wrdreg $0xFFFFFFFF  }
0xc1: {  	_ =	task.clear_ibuf [dreg:s6], $0x2FFFF;
	_ =	strace $0x9FFFFFFF  }
0xc2: {  	(tm) =	ssettm $0x7FFFFFFF  }
0xc3: {  	_ =	shalt  }
tec
execute0_lowered:
.L_overlay_start_1:
0x0: {  	(tag) =	ssettag $0x1  }
0x1: {  	s4 =	rddreg [dreg:$0x0];
	s0 =	stileid.u32  }
0x2: {  	s1 =	srdreg.scid;
	s2 =	rddreg [dreg:$0x1]  }
0x3: {  	s3 =	simm.s32 $0x0;
	s12 =	simm.s32 $0x0;
	s5 =	smul.u32 $0x18800, s0  }
0x4: {  	s6 =	sand.u32 $0x1, s1;
	s1 =	rddreg [dreg:$0x2];
	s30 =	smul.u32 $0x31000, s0  }
0x5: {  	[smem:$0x7FF] =	sst s3;
	s31 =	sshll.u32 s0, $0x6;
	s7 =	smul.u32 $0x188000, s6  }
0x6: {  	_ =	strace $0x80000050;
	s9 =	smul.u32 $0x310000, s6;
	s6 =	ssub.s32 $0x2, s6  }
0x7: {  	s8 =	sshrl.u32 s5, $0x3;
	s29 =	sshrl.u32 s6, $0x1;
	s11 =	sadd.s32 s5, s2  }
0x8: {  	s7 =	sadd.s32 s5, s7;
	s8 =	sadd.s32 s8, s4;
	s9 =	sadd.s32 s9, s4  }
0x9: {  	s6 =	ssub.s32 s6, s29;
	s5 =	sor.u32 $0x1C01, s31;
	s7 =	sshrl.u32 s7, $0x3  }
0xa: {  	s6 =	smax.u32 s6, $0x1;
	s10 =	sadd.s32 s7, s4;
	s4 =	sadd.s32 $0x36800, s8  }
0xb: {  	s7 =	sadd.s32 s30, s9;
	s9 =	sshrl.u32 s11, $0x3;
	s11 =	simm.s32 $0x400  }
0xc: {  	s7 =	sadd.s32 $0xFA400, s7;
	s8 =	sadd.s32 $0x71A400, s10;
	s10 =	simm.s32 $0x1  }
.LBB2_1:
0xd: {  	[spmem:s9], [sflag:s5] =	dma.local [hbm:s4], $0x3100  }
0xe: {  	_ =	swait.ge [sflag:s10], $0x3100  }
0xf: {  	[sflag:s10] =	ssyncset.done $0x0  }
0x10: {  	[sflag:s10] =	ssyncadd.s32 $0xFFFFCF00  }
0x11: {  	s13 =	sadd.s32 $0x0, s8;
	[bflag:$0x0] =	sbarrier.arrive $0xFFFF  }
0x12: {  	[tilespmem:s3], [sflag:$0x1] =	stream.linear.gather [hbm4b:s13+s3], $0x400, $0x38;
	[tilespmem:$0x1CC00] =	vst v63  }
0x13: {  	_ =	swait.ge [sflag:s10], $0x400  }
0x14: {  	[sflag:s10] =	ssyncset.done $0x0  }
0x15: {  	[sflag:s10] =	ssyncadd.s32 $0xFFFFFC00  }
0x16: {  	[tilespmem:s11], [sflag:$0x1] =	stream.indirect.gather [spmem:s2], $0x10, s3, s11, $0xb8;
	[tilespmem:$0x1CC00] =	vst v63  }
0x17: {  	_ =	swait.ge [sflag:s10], $0x4000  }
0x18: {  	[sflag:s10] =	ssyncset.done $0x0  }
0x19: {  	[sflag:s10] =	ssyncadd.s32 $0xFFFFC000  }
0x1a: {  	[hbm4b:s7+s3] =	stream.linear.scatter [tilespmem:s11], [sflag:$0x1], $0x4000, $0x38;
	[tilespmem:$0x1CC00] =	vst v63  }
0x1b: {  	s14 =	simm.s32 $0x80;
	_ =	swait.ge [sflag:s10], $0x4000  }
0x1c: {  	s15 =	simm.s32 $0x100;
	s13 =	sadd.s32 $0x800, s7;
	[sflag:s10] =	ssyncset.done $0x0  }
.LBB2_2:
0x1d: {  	s16 =	sadd.s32 s14, s8  }
0x1e: {  	[sflag:s10] =	ssyncadd.s32 $0xFFFFC000;
	s14 =	smov.u32 s15;
	s17 =	sadd.s32 $0x80, s15  }
0x1f: {  	[tilespmem:s3], [sflag:$0x1] =	stream.linear.gather [hbm4b:s16+s3], $0x400, $0x38;
	[tilespmem:$0x1CC00] =	vst v63  }
0x20: {  	p0 =	sne.s32 s15, $0x3080;
	_ =	swait.ge [sflag:s10], $0x400  }
0x21: {  	[sflag:s10] =	ssyncset.done $0x0  }
0x22: {  	[sflag:s10] =	ssyncadd.s32 $0xFFFFFC00  }
0x23: {  	[tilespmem:s11], [sflag:$0x1] =	stream.indirect.gather [spmem:s2], $0x10, s3, s11, $0xb8;
	[tilespmem:$0x1CC00] =	vst v63  }
0x24: {  	_ =	swait.ge [sflag:s10], $0x4000  }
.Ltmp0:
0x25: {  	[sflag:s10] =	ssyncset.done $0x0;
	(pc) =	sbr.rel @p0 .LBB2_2-.Ltmp0, $4  }
0x26: {  	[sflag:s10] =	ssyncadd.s32 $0xFFFFC000  }
0x27: {  	[hbm4b:s13+s3] =	stream.linear.scatter [tilespmem:s11], [sflag:$0x1], $0x4000, $0x38;
	[tilespmem:$0x1CC00] =	vst v63  }
0x28: {  	_ =	swait.ge [sflag:s10], $0x4000  }
0x29: {  	s15 =	smov.u32 s17;
	s13 =	sadd.s32 $0x800, s13;
	[sflag:s10] =	ssyncset.done $0x0  }
0x2a: {  	s14 =	sadd.s32 s14, s8;
	[sflag:s10] =	ssyncadd.s32 $0xFFFFC000  }
0x2b: {  	[tilespmem:s3], [sflag:$0x1] =	stream.linear.gather [hbm4b:s14+s3], $0x400, $0x38;
	[tilespmem:$0x1CC00] =	vst v63  }
0x2c: {  	_ =	swait.ge [sflag:s10], $0x400  }
0x2d: {  	[sflag:s10] =	ssyncset.done $0x0  }
0x2e: {  	[sflag:s10] =	ssyncadd.s32 $0xFFFFFC00  }
0x2f: {  	[tilespmem:s11], [sflag:$0x1] =	stream.indirect.gather [spmem:s2], $0x10, s3, s11, $0xb8;
	[tilespmem:$0x1CC00] =	vst v63  }
0x30: {  	s12 =	sadd.s32 $0x1, s12;
	_ =	swait.ge [sflag:s10], $0x4000  }
0x31: {  	p0 =	sne.s32 s12, s6;
	[sflag:s10] =	ssyncset.done $0x0  }
.Ltmp1:
0x32: {  	[sflag:s10] =	ssyncadd.s32 $0xFFFFC000;
	(pc) =	sbr.rel @p0 .LBB2_1-.Ltmp1, $4  }
0x33: {  	[hbm4b:s13+s3] =	stream.linear.scatter [tilespmem:s11], [sflag:$0x1], $0x4000, $0x38;
	[tilespmem:$0x1CC00] =	vst v63  }
0x34: {  	_ =	swait.ge [sflag:s10], $0x4000  }
0x35: {  	[sflag:s10] =	ssyncset.done $0x0  }
0x36: {  	[sflag:s10] =	ssyncadd.s32 $0xFFFFC000  }
0x37: {  	_ =	sfence.sel $0x180000  }
0x38: {  	[bflag:$0x0] =	sbarrier.arrive $0xFFFF  }
0x39: {  	p0 =	sne.s32 s0, $0x0;
	_ =	strace $0x90000050  }
0x3a: {  	s0 =	sadd.s32 @!p0 $0x100000, s1;
	[bflag:$0x2] =	sbarrier.arrive $0xFFFF  }
0x3b: {  	[sflag:s0] =	ssyncadd.tile.s32 @!p0 $0x1;
	_ =	shalt  }
.Lfunc_end2:
_tile_overlayer_lowered:
.L_overlay_start_2:
0x3c: {  	(tag) =	ssettag $0x2  }
0x3d: {  	s0 =	rddreg [dreg:$0x0];
	s2 =	stileid.u32  }
0x3e: {  	s1 =	rddreg [dreg:$0x1];
	p0 =	sne.s32 s2, $0x0  }
0x3f: {  	s3 =	rddreg [dreg:$0x2];
	[bflag:$0x3] =	sbarrier.arrive $0xFFFF;
	s2 =	simm.s32 @!p0 $0x1C01  }
0x40: {  	[timem:s3], [sflag:s2] =	dma.local @!p0 [hbm:s0], s1  }
0x41: {  	s0 =	simm.s32 @!p0 $0x1  }
0x42: {  	_ =	swait.ge @!p0 [sflag:s0], s1  }
0x43: {  	s1 =	ssub.s32 @!p0 $0x0, s1;
	[sflag:s0] =	ssyncset.done @!p0 $0x0  }
0x44: {  	[sflag:s0] =	ssyncadd.s32 @!p0 s1  }
0x45: {  	[bflag:$0x3] =	sbarrier.arrive $0xFFFF  }
0x46: {  	_ =	shalt  }

// kernel: kernel.23.cloned.1.call-start
scs
__scs_entry_jumppad:
0x0: {  	(pc) =	sbr.rel $0x88, $3  }
0x1: {  	(tag) =	ssettag $0x0;
	lr =	simm.s32 $0x1  }
0x2: {  	[smem:$0x3F88] =	sst lr;
	_ =	strace $0xD0000000  }
0x3: {  	_ = 	snop  }
0x4: {  	_ = 	snop  }
0x5: {  	_ = 	snop  }
0x6: {  	_ = 	snop  }
0x7: {  	_ = 	snop  }
__scs_overlays_trampoline_lowered:
0x8: {  	[smem:$0x3F97] =	sst s0  }
0x9: {  	[smem:$0x3F98] =	sst s1  }
0xa: {  	[smem:$0x3F99] =	sst s2  }
0xb: {  	[smem:$0x3F9A] =	sst s3  }
0xc: {  	[smem:$0x3F9B] =	sst s4  }
0xd: {  	[smem:$0x3F9C] =	sst s5  }
0xe: {  	[smem:$0x3F9D] =	sst s6  }
0xf: {  	[smem:$0x3F9E] =	sst s7  }
0x10: {  	[smem:$0x3F9F] =	sst s8  }
0x11: {  	[smem:$0x3FA0] =	sst s9;
	s0 =	simm.s32 @!p0 $0x0  }
0x12: {  	s1 =	sld [smem:$0x3F86];
	s0 =	simm.s32 @p0 $0x1  }
0x13: {  	[smem:$0x3FA1] =	sst s0;
	s0 =	simm.s32 @!p1 $0x0  }
0x14: {  	s2 =	sld [smem:$0x3F85];
	s0 =	simm.s32 @p1 $0x1  }
0x15: {  	[smem:$0x3FA2] =	sst s0;
	s0 =	simm.s32 @!p2 $0x0  }
0x16: {  	s3 =	sld [smem:$0x3FDB];
	s0 =	simm.s32 @p2 $0x1  }
0x17: {  	s4 =	simm.s32 $0x1BF5;
	[smem:$0x3FA4] =	sst s0  }
0x18: {  	s0 =	sld [smem:$0x3F87];
	_ =	swait.ge [sflag:s4], $0x0  }
0x19: {  	s7 =	sld [smem:$0x3F88]  }
0x1a: {  	s8 =	sadd.s32 $0xFFFFE003, lr  }
0x1b: {  	s9 =	sadd.s32 $0xFFFFFEF7, lr;
	s5 =	simm.s32 $0xFFFFFFFF;
	p2 =	slt.u32 s8, $0xFFFFF086  }
0x1c: {  	p1 =	slt.u32 s9, $0xF7A;
	s5 =	simm.s32 @!p2 $0x0  }
0x1d: {  	s5 =	simm.s32 @p1 $0x1;
	p0 =	seq.s32 s7, s2  }
0x1e: {  	s7 =	smul.u32 @!p0 $0xF7A, s2;
	p2 =	seq.s32 @!p0 s5, $0x0  }
0x1f: {  	s9 =	smul.u32 $0xF7A, s1;
	s8 =	simm.s32 @!p0 $0x1BF5;
	p2 =	por !p2, p0  }
0x20: {  	[sflag:s8] =	ssyncset.s32 @!p0 $0xFFFFF086;
	s6 =	sadd.s32 @!p0 s3, s7;
	s7 =	simm.s32 @!p0 $0x108  }
0x21: {  	s3 =	sadd.s32 s3, s9;
	s6 =	sadd.s32 @!p0 $0x88, s6;
	s7 =	simm.s32 @p2 $0x1082  }
0x22: {  	[simem:s7], [sflag:s8] =	dma.local @!p0 [hbm:s6], $0xF7A  }
0x23: {  	s9 =	sor.u32 $0xD0000000, s2;
	s6 =	simm.s32 $0x108;
	_ =	swait.ge @!p0 [sflag:s8], $0x0  }
0x24: {  	s3 =	sadd.s32 $0x88, s3;
	s6 =	simm.s32 @!p1 $0x1082;
	[sflag:s4] =	ssyncset.s32 $0xFFFFF086  }
0x25: {  	[simem:s6], [sflag:s4] =	dma.local [hbm:s3], $0xF7A  }
0x26: {  	[smem:$0x3F88] =	sst s1;
	(tag) =	ssettag s2;
	_ =	strace s9  }
0x27: {  	s1 =	sld [smem:$0x3F98]  }
0x28: {  	s2 =	sld [smem:$0x3F99]  }
0x29: {  	s4 =	sld [smem:$0x3F9B]  }
0x2a: {  	p0 =	seq.s32 s5, $0x0;
	s5 =	sld [smem:$0x3F9C]  }
0x2b: {  	s6 =	sld [smem:$0x3F9D]  }
0x2c: {  	s7 =	sld [smem:$0x3F9E]  }
0x2d: {  	s3 =	simm.s32 $0x108;
	s8 =	sld [smem:$0x3F9F]  }
0x2e: {  	s3 =	simm.s32 @!p0 $0x1082;
	s9 =	sld [smem:$0x3FA0]  }
0x2f: {  	lr =	sadd.s32 s0, s3;
	s0 =	sld [smem:$0x3F97]  }
0x30: {  	s3 =	sld [smem:$0x3F9A]  }
0x31: {  	[smem:$0x3FA3] =	sst s10  }
0x32: {  	s10 =	sld [smem:$0x3FA1];
	_ =	sdelay $0x3  }
0x33: {  	p0 =	seq.s32 s10, $0x1;
	s10 =	sld [smem:$0x3FA3];
	_ =	sdelay $0x3  }
0x34: {  	[smem:$0x3FA3] =	sst s10  }
0x35: {  	s10 =	sld [smem:$0x3FA2];
	_ =	sdelay $0x3  }
0x36: {  	p1 =	seq.s32 s10, $0x1;
	s10 =	sld [smem:$0x3FA3];
	_ =	sdelay $0x3  }
0x37: {  	[smem:$0x3FA3] =	sst s10  }
0x38: {  	s10 =	sld [smem:$0x3FA4]  }
0x39: {  	_ = 	snop;
	(pc) =	sbr.ind lr, $3  }
0x3a: {  	_ = 	snop  }
0x3b: {  	_ = 	snop  }
0x3c: {  	p2 =	seq.s32 s10, $0x1;
	s10 =	sld [smem:$0x3FA3]  }
0x3d: {  	_ =	shalt  }
0x3e: {  	_ =	shalt  }
0x3f: {  	_ =	shalt  }
0x40: {  	_ =	shalt  }
0x41: {  	_ =	shalt  }
0x42: {  	_ =	shalt  }
0x43: {  	_ =	shalt  }
0x44: {  	_ =	shalt  }
0x45: {  	_ =	shalt  }
0x46: {  	_ =	shalt  }
0x47: {  	_ =	shalt  }
0x48: {  	_ =	shalt  }
0x49: {  	_ =	shalt  }
0x4a: {  	_ =	shalt  }
0x4b: {  	_ =	shalt  }
0x4c: {  	_ =	shalt  }
0x4d: {  	_ =	shalt  }
0x4e: {  	_ =	shalt  }
0x4f: {  	_ =	shalt  }
0x50: {  	_ =	shalt  }
0x51: {  	_ =	shalt  }
0x52: {  	_ =	shalt  }
0x53: {  	_ =	shalt  }
0x54: {  	_ =	shalt  }
0x55: {  	_ =	shalt  }
0x56: {  	_ =	shalt  }
0x57: {  	_ =	shalt  }
0x58: {  	_ =	shalt  }
0x59: {  	_ =	shalt  }
0x5a: {  	_ =	shalt  }
0x5b: {  	_ =	shalt  }
0x5c: {  	_ =	shalt  }
0x5d: {  	_ =	shalt  }
0x5e: {  	_ =	shalt  }
0x5f: {  	_ =	shalt  }
0x60: {  	_ =	shalt  }
0x61: {  	_ =	shalt  }
0x62: {  	_ =	shalt  }
0x63: {  	_ =	shalt  }
0x64: {  	_ =	shalt  }
0x65: {  	_ =	shalt  }
0x66: {  	_ =	shalt  }
0x67: {  	_ =	shalt  }
0x68: {  	_ =	shalt  }
0x69: {  	_ =	shalt  }
0x6a: {  	_ =	shalt  }
0x6b: {  	_ =	shalt  }
0x6c: {  	_ =	shalt  }
0x6d: {  	_ =	shalt  }
0x6e: {  	_ =	shalt  }
0x6f: {  	_ =	shalt  }
0x70: {  	_ =	shalt  }
0x71: {  	_ =	shalt  }
0x72: {  	_ =	shalt  }
0x73: {  	_ =	shalt  }
0x74: {  	_ =	shalt  }
0x75: {  	_ =	shalt  }
0x76: {  	_ =	shalt  }
0x77: {  	_ =	shalt  }
0x78: {  	_ =	shalt  }
0x79: {  	_ =	shalt  }
0x7a: {  	_ =	shalt  }
0x7b: {  	_ =	shalt  }
0x7c: {  	_ =	shalt  }
0x7d: {  	_ =	shalt  }
0x7e: {  	_ =	shalt  }
0x7f: {  	_ =	shalt  }
0x80: {  	_ =	shalt  }
0x81: {  	_ =	shalt  }
0x82: {  	_ =	shalt  }
0x83: {  	_ =	shalt  }
0x84: {  	_ =	shalt  }
0x85: {  	_ =	shalt  }
0x86: {  	_ =	shalt  }
0x87: {  	_ =	shalt  }
.Lfunc_end0:
.L_simem_size_0:
called_computation.4_lowered:
.L_overlay_start_0:
0x88: {  	s2 =	sld [smem:$0x3FD9]  }
0x89: {  	s3 =	sld [smem:$0x3FFE];
	_ =	sdelay $0x1  }
0x8a: {  	s1 =	srdreg.scid  }
0x8b: {  	s0 =	sand.u32 $0x1, s1  }
0x8c: {  	s16 =	sshll.u32 s0, $0xA;
	s2 =	sadd.s32 s3, s2  }
0x8d: {  	s2 =	sadd.s32 s2, s16  }
0x8e: {  	[smem:$0x3FAF] =	sst s2  }
0x8f: {  	_ = 	snop  }
0x90: {  	(tm) =	ssettm $0x1  }
0x91: {  	s17 =	sld [smem:$0x3FFB];
	_ =	sdelay $0x3  }
0x92: {  	_ =	strace s17  }
0x93: {  	s2 =	sld [smem:$0x3FFC];
	_ =	sdelay $0x3  }
0x94: {  	_ =	strace s2  }
0x95: {  	s2 =	sld [smem:$0x3FFD];
	_ =	sdelay $0x3  }
0x96: {  	_ =	strace s2  }
0x97: {  	_ =	strace $0x8FFFFFFF  }
0x98: {  	s18 =	sld [smem:$0x3FDB];
	_ =	sdelay $0x1  }
0x99: {  	s19 =	simm.s32 $_scs_section_size  }
0x9a: {  	s4 =	simm.s32 $_size__tile_overlayer_lowered;
	s5 =	simm.s32 $_tile_overlayer_lowered  }
0x9b: {  	s22 =	simm.s32 $0x1BFF;
	s21 =	sshll.u32 s5, $0x1;
	s2 =	sadd.s32 s19, s18  }
0x9c: {  	s6 =	simm.s32 $0x0;
	s20 =	sshll.u32 s4, $0x1;
	s4 =	sadd.s32 s21, s2  }
0x9d: {  	[timem:s6], [sflag:s22] =	dma.local [hbm:s4], s20  }
0x9e: {  	_ =	swait.ge [sflag:s22], s20  }
0x9f: {  	s3 =	ssub.s32 $0x0, s20;
	[sflag:s22] =	ssyncset.done $0x0  }
0xa0: {  	[sflag:s22] =	ssyncadd.s32 s3;
	_ =	sdelay $0x1  }
0xa1: {  	s23 =	simm.s32 $0x1B8B  }
0xa2: {  	_ =	swait.ge [sflag:s23], $0x1  }
0xa3: {  	[sflag:s23] =	ssyncset.done $0x0  }
0xa4: {  	s25 =	simm.s32 $0x1B8E;
	s24 =	sld [smem:$0x3FFE];
	[sflag:s23] =	ssyncadd.s32 $0xFFFFFFFF  }
0xa5: {  	s26 =	simm.s32 $execute0_lowered;
	[smem:$0x3FD2] =	sst s25  }
0xa6: {  	s4 =	sshll.u32 s26, $0x1;
	_ =	strace $0x80000052;
	[dreg:$0x1] =	wrdreg $0xFFFFFFFF  }
0xa7: {  	s28 =	simm.s32 $_size_execute0_lowered;
	s2 =	sadd.s32 s2, s4;
	[dreg:$0x0] =	wrdreg $0x0  }
0xa8: {  	s4 =	sshll.u32 s28, $0x1;
	[dreg:$0x2] =	wrdreg s2  }
0xa9: {  	[dreg:$0x3] =	wrdreg s4  }
0xaa: {  	[dreg:$0x4] =	wrdreg $0xC0  }
0xab: {  	_ =	task [dreg:s6], $0x5FFFF  }
0xac: {  	[dreg:$0x1] =	wrdreg $0xFFFFFFFF  }
0xad: {  	[dreg:$0x0] =	wrdreg $0x60  }
0xae: {  	[dreg:$0x2] =	wrdreg s24  }
0xaf: {  	[dreg:$0x3] =	wrdreg $0x44000  }
0xb0: {  	[dreg:$0x4] =	wrdreg $0x9  }
0xb1: {  	_ =	task.clear_ibuf [dreg:s6], $0x5FFFF;
	_ =	strace $0x90000052  }
0xb2: {  	s29 =	simm.s32 $0x9;
	_ =	strace $0x80000054  }
0xb3: {  	_ =	swait.ge [sflag:s29], $0x1  }
0xb4: {  	[sflag:s29] =	ssyncadd.s32 $0xFFFFFFFF  }
0xb5: {  	_ =	strace $0x90000054  }
0xb6: {  	_ =	sfence  }
0xb7: {  	s30 =	sld [smem:$0x0];
	_ =	sdelay $0x2  }
0xb8: {  	s31 =	sshll.u32 s1, $0xD;
	s1 =	sshrl.u32 s1, $0x2  }
0xb9: {  	s3 =	sand.u32 $0x4000, s31;
	s1 =	sadd.s32 s1, s30  }
0xba: {  	s0 =	sor.u32 s3, s0;
	s1 =	sshll.u32 s1, $0x11  }
0xbb: {  	s0 =	sor.u32 s1, s0  }
0xbc: {  	s0 =	sadd.s32 $0x8F2B, s0  }
0xbd: {  	[sflag:s0] =	ssyncadd.remote.s32 $0x1  }
0xbe: {  	_ =	sfence.sel $0xFFFF  }
0xbf: {  	[dreg:$0x0] =	wrdreg $0xFFFFFFFF;
	(pc) =	sbr.abs _section_cstart, $3  }
0xc0: {  	[dreg:$0x1] =	wrdreg $0xFFFFFFFF  }
0xc1: {  	_ =	task.clear_ibuf [dreg:s6], $0x2FFFF;
	_ =	strace $0x9FFFFFFF  }
0xc2: {  	(tm) =	ssettm $0x7FFFFFFF  }
0xc3: {  	_ =	shalt  }
tec
execute0_lowered:
.L_overlay_start_1:
0x0: {  	(tag) =	ssettag $0x1  }
0x1: {  	s0 =	stileid.u32  }
0x2: {  	s6 =	smul.u32 $0x18800, s0  }
0x3: {  	s1 =	srdreg.scid;
	s9 =	smul.u32 $0x3100, s0  }
0x4: {  	s4 =	rddreg [dreg:$0x0];
	s5 =	sand.u32 $0x1, s1;
	s12 =	smul.u32 $0x31000, s0  }
0x5: {  	s2 =	rddreg [dreg:$0x1];
	s7 =	smul.u32 $0x188000, s5  }
0x6: {  	s3 =	simm.s32 $0x0;
	s1 =	rddreg [dreg:$0x2];
	s8 =	smul.u32 $0x310000, s5  }
0x7: {  	[smem:$0x7FF] =	sst s3;
	s31 =	sshll.u32 s0, $0x6;
	s10 =	smul.u32 $0x31000, s5  }
0x8: {  	_ =	strace $0x80000053;
	s5 =	ssub.s32 $0x2, s5;
	s28 =	sshrl.u32 s6, $0x3  }
0x9: {  	s29 =	sshrl.u32 s5, $0x1;
	s13 =	sadd.s32 s6, s2;
	s7 =	sadd.s32 s6, s7  }
0xa: {  	s8 =	sadd.s32 s8, s4;
	s9 =	sadd.s32 s9, s10;
	s30 =	ssub.s32 s5, s29  }
0xb: {  	s5 =	sor.u32 $0x1C01, s31;
	s10 =	sshrl.u32 s13, $0x3;
	s13 =	simm.s32 $0x0  }
0xc: {  	s7 =	sshrl.u32 s7, $0x3;
	s9 =	sadd.s32 s9, s4;
	s8 =	sadd.s32 s12, s8  }
0xd: {  	s12 =	simm.s32 $0x400;
	s11 =	sadd.s32 s7, s4;
	s7 =	sadd.s32 s28, s4  }
0xe: {  	s6 =	sadd.s32 $0x71A400, s9;
	s8 =	sadd.s32 $0xFA400, s8;
	s4 =	sadd.s32 $0x5800, s7  }
0xf: {  	s7 =	smax.u32 s30, $0x1;
	s9 =	sadd.s32 $0x98400, s11;
	s11 =	simm.s32 $0x1  }
.LBB2_1:
0x10: {  	[spmem:s10], [sflag:s5] =	dma.local [hbm:s4], $0x3100  }
0x11: {  	_ =	swait.ge [sflag:s11], $0x3100  }
0x12: {  	[sflag:s11] =	ssyncset.done $0x0  }
0x13: {  	[sflag:s11] =	ssyncadd.s32 $0xFFFFCF00  }
0x14: {  	s14 =	sadd.s32 $0x0, s9;
	[bflag:$0x0] =	sbarrier.arrive $0xFFFF  }
0x15: {  	[tilespmem:s3], [sflag:$0x1] =	stream.linear.gather [hbm4b:s14+s3], $0x400, $0x38;
	[tilespmem:$0x1CC00] =	vst v63  }
0x16: {  	_ =	swait.ge [sflag:s11], $0x400  }
0x17: {  	[sflag:s11] =	ssyncset.done $0x0  }
0x18: {  	[sflag:s11] =	ssyncadd.s32 $0xFFFFFC00  }
0x19: {  	[tilespmem:s12], [sflag:$0x1] =	stream.linear.gather [hbm4b:s8+s3], $0x4000, $0x38;
	[tilespmem:$0x1CC00] =	vst v63  }
0x1a: {  	_ =	swait.ge [sflag:s11], $0x4000  }
0x1b: {  	[sflag:s11] =	ssyncset.done $0x0  }
0x1c: {  	[sflag:s11] =	ssyncadd.s32 $0xFFFFC000  }
0x1d: {  	[spmem:s2] =	stream.indirect.scatter.add.f32 [tilespmem:s12], [sflag:$0x1], $0x10, s3, s12, $0xb8;
	[tilespmem:$0x1CC00] =	vst v63  }
0x1e: {  	s15 =	simm.s32 $0x80;
	_ =	swait.ge [sflag:s11], $0x4000  }
0x1f: {  	s16 =	simm.s32 $0x100;
	s14 =	sadd.s32 $0x800, s8;
	[sflag:s11] =	ssyncset.done $0x0  }
.LBB2_2:
0x20: {  	s17 =	sadd.s32 s15, s9  }
0x21: {  	[sflag:s11] =	ssyncadd.s32 $0xFFFFC000;
	s15 =	smov.u32 s16;
	s18 =	sadd.s32 $0x80, s16  }
0x22: {  	[tilespmem:s3], [sflag:$0x1] =	stream.linear.gather [hbm4b:s17+s3], $0x400, $0x38;
	[tilespmem:$0x1CC00] =	vst v63  }
0x23: {  	p0 =	sne.s32 s16, $0x3080;
	_ =	swait.ge [sflag:s11], $0x400  }
0x24: {  	[sflag:s11] =	ssyncset.done $0x0  }
0x25: {  	[sflag:s11] =	ssyncadd.s32 $0xFFFFFC00  }
0x26: {  	[tilespmem:s12], [sflag:$0x1] =	stream.linear.gather [hbm4b:s14+s3], $0x4000, $0x38;
	[tilespmem:$0x1CC00] =	vst v63  }
0x27: {  	_ =	swait.ge [sflag:s11], $0x4000  }
.Ltmp0:
0x28: {  	[sflag:s11] =	ssyncset.done $0x0;
	(pc) =	sbr.rel @p0 .LBB2_2-.Ltmp0, $4  }
0x29: {  	[sflag:s11] =	ssyncadd.s32 $0xFFFFC000  }
0x2a: {  	[spmem:s2] =	stream.indirect.scatter.add.f32 [tilespmem:s12], [sflag:$0x1], $0x10, s3, s12, $0xb8;
	[tilespmem:$0x1CC00] =	vst v63  }
0x2b: {  	_ =	swait.ge [sflag:s11], $0x4000  }
0x2c: {  	s16 =	smov.u32 s18;
	s14 =	sadd.s32 $0x800, s14;
	[sflag:s11] =	ssyncset.done $0x0  }
0x2d: {  	s15 =	sadd.s32 s15, s9;
	[sflag:s11] =	ssyncadd.s32 $0xFFFFC000  }
0x2e: {  	[tilespmem:s3], [sflag:$0x1] =	stream.linear.gather [hbm4b:s15+s3], $0x400, $0x38;
	[tilespmem:$0x1CC00] =	vst v63  }
0x2f: {  	_ =	swait.ge [sflag:s11], $0x400  }
0x30: {  	[sflag:s11] =	ssyncset.done $0x0  }
0x31: {  	[sflag:s11] =	ssyncadd.s32 $0xFFFFFC00  }
0x32: {  	[tilespmem:s12], [sflag:$0x1] =	stream.linear.gather [hbm4b:s14+s3], $0x4000, $0x38;
	[tilespmem:$0x1CC00] =	vst v63  }
0x33: {  	_ =	swait.ge [sflag:s11], $0x4000  }
0x34: {  	[sflag:s11] =	ssyncset.done $0x0  }
0x35: {  	[sflag:s11] =	ssyncadd.s32 $0xFFFFC000  }
0x36: {  	[spmem:s2] =	stream.indirect.scatter.add.f32 [tilespmem:s12], [sflag:$0x1], $0x10, s3, s12, $0xb8;
	[tilespmem:$0x1CC00] =	vst v63  }
0x37: {  	_ =	swait.ge [sflag:s11], $0x4000  }
0x38: {  	s13 =	sadd.s32 $0x1, s13;
	[sflag:s11] =	ssyncset.done $0x0  }
0x39: {  	p0 =	sne.s32 s13, s7;
	[sflag:s11] =	ssyncadd.s32 $0xFFFFC000  }
.Ltmp1:
0x3a: {  	[bflag:$0x0] =	sbarrier.arrive $0xFFFF;
	(pc) =	sbr.rel @p0 .LBB2_1-.Ltmp1, $4  }
0x3b: {  	[hbm:s6], [sflag:s5] =	dma.local [spmem:s10], $0x3100  }
0x3c: {  	_ =	swait.ge [sflag:s11], $0x3100  }
0x3d: {  	[sflag:s11] =	ssyncset.done $0x0  }
0x3e: {  	[sflag:s11] =	ssyncadd.s32 $0xFFFFCF00  }
0x3f: {  	_ =	sfence.sel $0x180000  }
0x40: {  	[bflag:$0x0] =	sbarrier.arrive $0xFFFF  }
0x41: {  	p0 =	sne.s32 s0, $0x0;
	_ =	strace $0x90000053  }
0x42: {  	s0 =	sadd.s32 @!p0 $0x100000, s1;
	[bflag:$0x2] =	sbarrier.arrive $0xFFFF  }
0x43: {  	[sflag:s0] =	ssyncadd.tile.s32 @!p0 $0x1;
	_ =	shalt  }
.Lfunc_end2:
_tile_overlayer_lowered:
.L_overlay_start_2:
0x44: {  	(tag) =	ssettag $0x2  }
0x45: {  	s0 =	rddreg [dreg:$0x0];
	s2 =	stileid.u32  }
0x46: {  	s1 =	rddreg [dreg:$0x1];
	p0 =	sne.s32 s2, $0x0  }
0x47: {  	s3 =	rddreg [dreg:$0x2];
	[bflag:$0x3] =	sbarrier.arrive $0xFFFF;
	s2 =	simm.s32 @!p0 $0x1C01  }
0x48: {  	[timem:s3], [sflag:s2] =	dma.local @!p0 [hbm:s0], s1  }
0x49: {  	s0 =	simm.s32 @!p0 $0x1  }
0x4a: {  	_ =	swait.ge @!p0 [sflag:s0], s1  }
0x4b: {  	s1 =	ssub.s32 @!p0 $0x0, s1;
	[sflag:s0] =	ssyncset.done @!p0 $0x0  }
0x4c: {  	[sflag:s0] =	ssyncadd.s32 @!p0 s1  }
0x4d: {  	[bflag:$0x3] =	sbarrier.arrive $0xFFFF  }
0x4e: {  	_ =	shalt  }

</sc_bundles>
